<compile_context>
chip_gen: v7x
topology: tpu7x:2x2x1
jax: 0.10.2.dev20260603
libtpu: 0.0.44.dev20260713+nightly
codegen_flags: <defaults>
</compile_context>

<pallas_src>
import jax
import jax.numpy as jnp
from jax import lax
from jax.experimental import pallas as pl
from jax.experimental.pallas import tpu as pltpu
from jax.experimental.pallas import tpu_sc as plsc

_VOCAB = 1000000
_BATCH = 16384
_HIST = 200
_N = _BATCH * _HIST
_NW = 32
_PER_W = _N // _NW
_CHUNK = 10240
_NCHUNK = _PER_W // _CHUNK
_NBUF = 3

_scalar_mesh = plsc.ScalarSubcoreMesh(axis_name="c")
_vector_mesh = plsc.VectorSubcoreMesh(core_axis_name="c", subcore_axis_name="s")


def _scs_body(x_hbm, table_hbm, out_hbm, table_sp, i0, i1, i2, v0, v1, v2,
              sem_i, sem_g, sem_w, sem_scs, sem_stage):
    del x_hbm, out_hbm, i0, i1, i2, v0, v1, v2, sem_i, sem_g, sem_w
    c = lax.axis_index("c")
    pltpu.async_copy(table_hbm, table_sp, sem_scs.at[0]).wait()
    for j in range(16):
        pl.semaphore_signal(sem_stage, 1, device_id={"c": c, "s": j})


def _tec_body(x_hbm, table_hbm, out_hbm, table_sp, i0, i1, i2, v0, v1, v2,
              sem_i, sem_g, sem_w, sem_scs, sem_stage):
    del table_hbm, sem_scs
    idx_v = [i0, i1, i2]
    vals_v = [v0, v1, v2]
    s = lax.axis_index("s")
    wid = s * 2 + lax.axis_index("c")
    base = wid * _PER_W

    def idx_load(g):
        b = g % _NBUF
        return pltpu.async_copy(
            x_hbm.at[pl.ds(base + g * _CHUNK, _CHUNK)], idx_v[b], sem_i.at[b])

    def gather(g):
        b = g % _NBUF
        return pltpu.async_copy(table_sp.at[idx_v[b]], vals_v[b],
                                sem_g.at[b])

    def writeback(g):
        b = g % _NBUF
        return pltpu.async_copy(
            vals_v[b], out_hbm.at[pl.ds(base + g * _CHUNK, _CHUNK)],
            sem_w.at[b])

    h_i = {}
    h_g = {}
    h_w = {}
    for g in range(_NBUF):
        h_i[g] = idx_load(g)
    pl.semaphore_wait(sem_stage, 1)
    for g in range(_NCHUNK):
        h_i[g].wait()
        if g >= _NBUF:
            h_w[g - _NBUF].wait()
        h_g[g] = gather(g)
        if g >= 1:
            h_g[g - 1].wait()
            h_w[g - 1] = writeback(g - 1)
            if g + _NBUF - 1 < _NCHUNK:
                h_i[g + _NBUF - 1] = idx_load(g + _NBUF - 1)
    h_g[_NCHUNK - 1].wait()
    h_w[_NCHUNK - 1] = writeback(_NCHUNK - 1)
    for g in range(_NCHUNK - _NBUF, _NCHUNK):
        h_w[g].wait()


_lookup = pl.kernel(
    [_scs_body, _tec_body],
    out_type=jax.ShapeDtypeStruct((_N,), jnp.int32),
    mesh=[_scalar_mesh, _vector_mesh],
    scratch_types=(
        [pltpu.VMEM_SHARED((_VOCAB,), jnp.int32)]
        + [(pltpu.VMEM @ _vector_mesh)((_CHUNK,), jnp.int32)
           for _ in range(2 * _NBUF)]
        + [(pltpu.SEMAPHORE @ _vector_mesh)((_NBUF,),
                                            pltpu.SemaphoreType.DMA.dtype)
           for _ in range(3)]
        + [(pltpu.SEMAPHORE @ _scalar_mesh)((1,),
                                            pltpu.SemaphoreType.DMA.dtype)]
        + [pltpu.SemaphoreType.REGULAR @ _vector_mesh]
    ),
)


def kernel(x, table):
    out = _lookup(x.reshape(_N), table)
    return out.reshape(x.shape)

# --- scband reference (transcript-rebuilt; emitter-appended) ---
"""Pipeline reference for scband-integer-encoding-11252814316312 (READ-ONLY COPY).

The authoritative reference and input builder live on the scoring server;
editing this copy changes nothing except your own understanding.
"""

import jax, jax.numpy as jnp
import numpy as np

VOCAB = 1000000
BATCH = 16384
HIST = 200


def setup_inputs(seed: int = 0) -> dict:
    key = jax.random.key(seed)
    kx, kt = jax.random.split(key)
    # token ids to encode (e.g., raw vocabulary ids of a token sequence)
    x = jax.random.randint(kx, (BATCH, HIST), 0, VOCAB, dtype=jnp.int32)
    # The torchtext Vocab's lookup_indices is a token -> index mapping.
    # We model it as a dense int32 mapping table of size VOCAB (a permutation,
    # i.e. each raw token id maps to a unique encoded index).
    table = jax.random.permutation(kt, VOCAB).astype(jnp.int32)
    return {"x": x, "table": table}


def reference(x, table):
    # vocab.lookup_indices(x): per-element table lookup (pure gather)
    return jnp.take(table, x, axis=0)

if __name__ == "__main__":
    import jax
    _d = setup_inputs()
    print(jax.jit(kernel)(*tuple(_d.values())))

</pallas_src>

<mosaic_0001>
#map = affine_map<(d0) -> (0)>
#map1 = affine_map<(d0, d1) -> (0)>
module attributes {stable_mosaic.version = 14 : i64} {
  func.func @_scs_body(%arg0: i32, %arg1: memref<3276800xi32, #tpu.memory_space<hbm>>, %arg2: memref<1000000xi32, #tpu.memory_space<hbm>>, %arg3: memref<3276800xi32, #tpu.memory_space<hbm>>, %arg4: memref<1000000xi32, #tpu.memory_space<vmem_shared>>, %arg5: memref<10240xi32, #tpu.memory_space<vmem, sc_vector_subcore>>, %arg6: memref<10240xi32, #tpu.memory_space<vmem, sc_vector_subcore>>, %arg7: memref<10240xi32, #tpu.memory_space<vmem, sc_vector_subcore>>, %arg8: memref<10240xi32, #tpu.memory_space<vmem, sc_vector_subcore>>, %arg9: memref<10240xi32, #tpu.memory_space<vmem, sc_vector_subcore>>, %arg10: memref<10240xi32, #tpu.memory_space<vmem, sc_vector_subcore>>, %arg11: memref<3x!tpu.dma_semaphore, #tpu.memory_space<semaphore_mem, sc_vector_subcore>>, %arg12: memref<3x!tpu.dma_semaphore, #tpu.memory_space<semaphore_mem, sc_vector_subcore>>, %arg13: memref<3x!tpu.dma_semaphore, #tpu.memory_space<semaphore_mem, sc_vector_subcore>>, %arg14: memref<1x!tpu.dma_semaphore, #tpu.memory_space<semaphore_mem>>, %arg15: memref<!tpu.semaphore, #tpu.memory_space<semaphore_mem, sc_vector_subcore>>) attributes {dimension_semantics = [#tpu.dimension_semantics<core_parallel>], iteration_bounds = array<i64: 2>, scalar_prefetch = 0 : i64, scratch_operands = 12 : i64, tpu.core_type = #tpu.core_type<sc_scalar_subcore>, window_params = [{transform_indices = #map}, {transform_indices = #map}, {transform_indices = #map}]} {
    %dma_start3A = arith.constant 0 : i32
    %dma_start3A_0 = tpu.memref_slice %arg14[%dma_start3A] : memref<1x!tpu.dma_semaphore, #tpu.memory_space<semaphore_mem>> -> memref<1x!tpu.dma_semaphore, #tpu.memory_space<semaphore_mem>>
    %dma_start3A_1 = tpu.memref_squeeze %dma_start3A_0 : memref<1x!tpu.dma_semaphore, #tpu.memory_space<semaphore_mem>> -> memref<!tpu.dma_semaphore, #tpu.memory_space<semaphore_mem>>
    tpu.enqueue_dma source(%arg2 : memref<1000000xi32, #tpu.memory_space<hbm>>) target(%arg4 : memref<1000000xi32, #tpu.memory_space<vmem_shared>>) target_semaphore(%dma_start3A_1 : memref<!tpu.dma_semaphore, #tpu.memory_space<semaphore_mem>>)
    %dma_wait3A = arith.constant 0 : i32
    %dma_wait3A_2 = tpu.memref_slice %arg14[%dma_wait3A] : memref<1x!tpu.dma_semaphore, #tpu.memory_space<semaphore_mem>> -> memref<1x!tpu.dma_semaphore, #tpu.memory_space<semaphore_mem>>
    %dma_wait3A_3 = tpu.memref_squeeze %dma_wait3A_2 : memref<1x!tpu.dma_semaphore, #tpu.memory_space<semaphore_mem>> -> memref<!tpu.dma_semaphore, #tpu.memory_space<semaphore_mem>>
    tpu.wait_dma2 semaphore(%dma_wait3A_3 : memref<!tpu.dma_semaphore, #tpu.memory_space<semaphore_mem>>) src(%arg2 : memref<1000000xi32, #tpu.memory_space<hbm>>) dst(%arg4 : memref<1000000xi32, #tpu.memory_space<vmem_shared>>)
    %semaphore_signal3A = arith.constant 1 : i32
    %semaphore_signal3A_4 = arith.constant 0 : i32
    tpu.sem_signal %arg15, %semaphore_signal3A core_id %arg0 subcore_id %semaphore_signal3A_4 : memref<!tpu.semaphore, #tpu.memory_space<semaphore_mem, sc_vector_subcore>>
    %semaphore_signal3A_5 = arith.constant 1 : i32
    %semaphore_signal3A_6 = arith.constant 1 : i32
    tpu.sem_signal %arg15, %semaphore_signal3A_5 core_id %arg0 subcore_id %semaphore_signal3A_6 : memref<!tpu.semaphore, #tpu.memory_space<semaphore_mem, sc_vector_subcore>>
    %semaphore_signal3A_7 = arith.constant 1 : i32
    %semaphore_signal3A_8 = arith.constant 2 : i32
    tpu.sem_signal %arg15, %semaphore_signal3A_7 core_id %arg0 subcore_id %semaphore_signal3A_8 : memref<!tpu.semaphore, #tpu.memory_space<semaphore_mem, sc_vector_subcore>>
    %semaphore_signal3A_9 = arith.constant 1 : i32
    %semaphore_signal3A_10 = arith.constant 3 : i32
    tpu.sem_signal %arg15, %semaphore_signal3A_9 core_id %arg0 subcore_id %semaphore_signal3A_10 : memref<!tpu.semaphore, #tpu.memory_space<semaphore_mem, sc_vector_subcore>>
    %semaphore_signal3A_11 = arith.constant 1 : i32
    %semaphore_signal3A_12 = arith.constant 4 : i32
    tpu.sem_signal %arg15, %semaphore_signal3A_11 core_id %arg0 subcore_id %semaphore_signal3A_12 : memref<!tpu.semaphore, #tpu.memory_space<semaphore_mem, sc_vector_subcore>>
    %semaphore_signal3A_13 = arith.constant 1 : i32
    %semaphore_signal3A_14 = arith.constant 5 : i32
    tpu.sem_signal %arg15, %semaphore_signal3A_13 core_id %arg0 subcore_id %semaphore_signal3A_14 : memref<!tpu.semaphore, #tpu.memory_space<semaphore_mem, sc_vector_subcore>>
    %semaphore_signal3A_15 = arith.constant 1 : i32
    %semaphore_signal3A_16 = arith.constant 6 : i32
    tpu.sem_signal %arg15, %semaphore_signal3A_15 core_id %arg0 subcore_id %semaphore_signal3A_16 : memref<!tpu.semaphore, #tpu.memory_space<semaphore_mem, sc_vector_subcore>>
    %semaphore_signal3A_17 = arith.constant 1 : i32
    %semaphore_signal3A_18 = arith.constant 7 : i32
    tpu.sem_signal %arg15, %semaphore_signal3A_17 core_id %arg0 subcore_id %semaphore_signal3A_18 : memref<!tpu.semaphore, #tpu.memory_space<semaphore_mem, sc_vector_subcore>>
    %semaphore_signal3A_19 = arith.constant 1 : i32
    %semaphore_signal3A_20 = arith.constant 8 : i32
    tpu.sem_signal %arg15, %semaphore_signal3A_19 core_id %arg0 subcore_id %semaphore_signal3A_20 : memref<!tpu.semaphore, #tpu.memory_space<semaphore_mem, sc_vector_subcore>>
    %semaphore_signal3A_21 = arith.constant 1 : i32
    %semaphore_signal3A_22 = arith.constant 9 : i32
    tpu.sem_signal %arg15, %semaphore_signal3A_21 core_id %arg0 subcore_id %semaphore_signal3A_22 : memref<!tpu.semaphore, #tpu.memory_space<semaphore_mem, sc_vector_subcore>>
    %semaphore_signal3A_23 = arith.constant 1 : i32
    %semaphore_signal3A_24 = arith.constant 10 : i32
    tpu.sem_signal %arg15, %semaphore_signal3A_23 core_id %arg0 subcore_id %semaphore_signal3A_24 : memref<!tpu.semaphore, #tpu.memory_space<semaphore_mem, sc_vector_subcore>>
    %semaphore_signal3A_25 = arith.constant 1 : i32
    %semaphore_signal3A_26 = arith.constant 11 : i32
    tpu.sem_signal %arg15, %semaphore_signal3A_25 core_id %arg0 subcore_id %semaphore_signal3A_26 : memref<!tpu.semaphore, #tpu.memory_space<semaphore_mem, sc_vector_subcore>>
    %semaphore_signal3A_27 = arith.constant 1 : i32
    %semaphore_signal3A_28 = arith.constant 12 : i32
    tpu.sem_signal %arg15, %semaphore_signal3A_27 core_id %arg0 subcore_id %semaphore_signal3A_28 : memref<!tpu.semaphore, #tpu.memory_space<semaphore_mem, sc_vector_subcore>>
    %semaphore_signal3A_29 = arith.constant 1 : i32
    %semaphore_signal3A_30 = arith.constant 13 : i32
    tpu.sem_signal %arg15, %semaphore_signal3A_29 core_id %arg0 subcore_id %semaphore_signal3A_30 : memref<!tpu.semaphore, #tpu.memory_space<semaphore_mem, sc_vector_subcore>>
    %semaphore_signal3A_31 = arith.constant 1 : i32
    %semaphore_signal3A_32 = arith.constant 14 : i32
    tpu.sem_signal %arg15, %semaphore_signal3A_31 core_id %arg0 subcore_id %semaphore_signal3A_32 : memref<!tpu.semaphore, #tpu.memory_space<semaphore_mem, sc_vector_subcore>>
    %semaphore_signal3A_33 = arith.constant 1 : i32
    %semaphore_signal3A_34 = arith.constant 15 : i32
    tpu.sem_signal %arg15, %semaphore_signal3A_33 core_id %arg0 subcore_id %semaphore_signal3A_34 : memref<!tpu.semaphore, #tpu.memory_space<semaphore_mem, sc_vector_subcore>>
    return
  }
  func.func @_tec_body(%arg0: i32, %arg1: i32, %arg2: memref<3276800xi32, #tpu.memory_space<hbm>>, %arg3: memref<1000000xi32, #tpu.memory_space<hbm>>, %arg4: memref<3276800xi32, #tpu.memory_space<hbm>>, %arg5: memref<1000000xi32, #tpu.memory_space<vmem_shared>>, %arg6: memref<10240xi32, #tpu.memory_space<vmem>>, %arg7: memref<10240xi32, #tpu.memory_space<vmem>>, %arg8: memref<10240xi32, #tpu.memory_space<vmem>>, %arg9: memref<10240xi32, #tpu.memory_space<vmem>>, %arg10: memref<10240xi32, #tpu.memory_space<vmem>>, %arg11: memref<10240xi32, #tpu.memory_space<vmem>>, %arg12: memref<3x!tpu.dma_semaphore, #tpu.memory_space<semaphore_mem>>, %arg13: memref<3x!tpu.dma_semaphore, #tpu.memory_space<semaphore_mem>>, %arg14: memref<3x!tpu.dma_semaphore, #tpu.memory_space<semaphore_mem>>, %arg15: memref<1x!tpu.dma_semaphore, #tpu.memory_space<semaphore_mem, sc_scalar_subcore>>, %arg16: memref<!tpu.semaphore, #tpu.memory_space<semaphore_mem>>) attributes {dimension_semantics = [#tpu.dimension_semantics<core_parallel>, #tpu.dimension_semantics<subcore_parallel>], iteration_bounds = array<i64: 2, 16>, scalar_prefetch = 0 : i64, scratch_operands = 12 : i64, tpu.core_type = #tpu.core_type<sc_vector_subcore>, window_params = [{transform_indices = #map1}, {transform_indices = #map1}, {transform_indices = #map1}]} {
    %mul3A = arith.constant 2 : i32
    %mul3A_0 = arith.muli %arg1, %mul3A : i32
    %add3A = arith.addi %mul3A_0, %arg0 : i32
    %mul3A_1 = arith.constant 102400 : i32
    %mul3A_2 = arith.muli %add3A, %mul3A_1 : i32
    %add3A_3 = arith.constant 0 : i32
    %add3A_4 = arith.addi %mul3A_2, %add3A_3 : i32
    %dma_start3A = arith.constant 0 : i32
    %dma_start3A_5 = tpu.memref_slice %arg2[%add3A_4] : memref<3276800xi32, #tpu.memory_space<hbm>> -> memref<10240xi32, #tpu.memory_space<hbm>>
    %dma_start3A_6 = tpu.memref_slice %arg12[%dma_start3A] : memref<3x!tpu.dma_semaphore, #tpu.memory_space<semaphore_mem>> -> memref<1x!tpu.dma_semaphore, #tpu.memory_space<semaphore_mem>>
    %dma_start3A_7 = tpu.memref_squeeze %dma_start3A_6 : memref<1x!tpu.dma_semaphore, #tpu.memory_space<semaphore_mem>> -> memref<!tpu.dma_semaphore, #tpu.memory_space<semaphore_mem>>
    %dma_start3A_8 = tpu.memref_slice %arg2[%add3A_4] : memref<3276800xi32, #tpu.memory_space<hbm>> -> memref<10240xi32, #tpu.memory_space<hbm>>
    tpu.enqueue_dma source(%dma_start3A_8 : memref<10240xi32, #tpu.memory_space<hbm>>) target(%arg6 : memref<10240xi32, #tpu.memory_space<vmem>>) target_semaphore(%dma_start3A_7 : memref<!tpu.dma_semaphore, #tpu.memory_space<semaphore_mem>>)
    %add3A_9 = arith.constant 10240 : i32
    %add3A_10 = arith.addi %mul3A_2, %add3A_9 : i32
    %dma_start3A_11 = arith.constant 1 : i32
    %dma_start3A_12 = tpu.memref_slice %arg2[%add3A_10] : memref<3276800xi32, #tpu.memory_space<hbm>> -> memref<10240xi32, #tpu.memory_space<hbm>>
    %dma_start3A_13 = tpu.memref_slice %arg12[%dma_start3A_11] : memref<3x!tpu.dma_semaphore, #tpu.memory_space<semaphore_mem>> -> memref<1x!tpu.dma_semaphore, #tpu.memory_space<semaphore_mem>>
    %dma_start3A_14 = tpu.memref_squeeze %dma_start3A_13 : memref<1x!tpu.dma_semaphore, #tpu.memory_space<semaphore_mem>> -> memref<!tpu.dma_semaphore, #tpu.memory_space<semaphore_mem>>
    %dma_start3A_15 = tpu.memref_slice %arg2[%add3A_10] : memref<3276800xi32, #tpu.memory_space<hbm>> -> memref<10240xi32, #tpu.memory_space<hbm>>
    tpu.enqueue_dma source(%dma_start3A_15 : memref<10240xi32, #tpu.memory_space<hbm>>) target(%arg7 : memref<10240xi32, #tpu.memory_space<vmem>>) target_semaphore(%dma_start3A_14 : memref<!tpu.dma_semaphore, #tpu.memory_space<semaphore_mem>>)
    %add3A_16 = arith.constant 20480 : i32
    %add3A_17 = arith.addi %mul3A_2, %add3A_16 : i32
    %dma_start3A_18 = arith.constant 2 : i32
    %dma_start3A_19 = tpu.memref_slice %arg2[%add3A_17] : memref<3276800xi32, #tpu.memory_space<hbm>> -> memref<10240xi32, #tpu.memory_space<hbm>>
    %dma_start3A_20 = tpu.memref_slice %arg12[%dma_start3A_18] : memref<3x!tpu.dma_semaphore, #tpu.memory_space<semaphore_mem>> -> memref<1x!tpu.dma_semaphore, #tpu.memory_space<semaphore_mem>>
    %dma_start3A_21 = tpu.memref_squeeze %dma_start3A_20 : memref<1x!tpu.dma_semaphore, #tpu.memory_space<semaphore_mem>> -> memref<!tpu.dma_semaphore, #tpu.memory_space<semaphore_mem>>
    %dma_start3A_22 = tpu.memref_slice %arg2[%add3A_17] : memref<3276800xi32, #tpu.memory_space<hbm>> -> memref<10240xi32, #tpu.memory_space<hbm>>
    tpu.enqueue_dma source(%dma_start3A_22 : memref<10240xi32, #tpu.memory_space<hbm>>) target(%arg8 : memref<10240xi32, #tpu.memory_space<vmem>>) target_semaphore(%dma_start3A_21 : memref<!tpu.dma_semaphore, #tpu.memory_space<semaphore_mem>>)
    %semaphore_wait3A = arith.constant 1 : i32
    %semaphore_wait3A_23 = arith.constant true
    tpu.sem_wait %arg16, %semaphore_wait3A : memref<!tpu.semaphore, #tpu.memory_space<semaphore_mem>>
    %dma_wait3A = arith.constant 0 : i32
    %dma_wait3A_24 = tpu.memref_slice %arg2[%add3A_4] : memref<3276800xi32, #tpu.memory_space<hbm>> -> memref<10240xi32, #tpu.memory_space<hbm>>
    %dma_wait3A_25 = tpu.memref_slice %arg12[%dma_wait3A] : memref<3x!tpu.dma_semaphore, #tpu.memory_space<semaphore_mem>> -> memref<1x!tpu.dma_semaphore, #tpu.memory_space<semaphore_mem>>
    %dma_wait3A_26 = tpu.memref_squeeze %dma_wait3A_25 : memref<1x!tpu.dma_semaphore, #tpu.memory_space<semaphore_mem>> -> memref<!tpu.dma_semaphore, #tpu.memory_space<semaphore_mem>>
    %dma_wait3A_27 = tpu.memref_slice %arg2[%add3A_4] : memref<3276800xi32, #tpu.memory_space<hbm>> -> memref<10240xi32, #tpu.memory_space<hbm>>
    tpu.wait_dma2 semaphore(%dma_wait3A_26 : memref<!tpu.dma_semaphore, #tpu.memory_space<semaphore_mem>>) src(%dma_wait3A_27 : memref<10240xi32, #tpu.memory_space<hbm>>) dst(%arg6 : memref<10240xi32, #tpu.memory_space<vmem>>)
    %dma_start3A_28 = arith.constant 0 : i32
    %dma_start3A_29 = arith.constant 0 : i32
    %dma_start3A_30 = tpu.memref_slice %arg5[%dma_start3A_29] : memref<1000000xi32, #tpu.memory_space<vmem_shared>> -> memref<1000000xi32, #tpu.memory_space<vmem_shared>>
    %dma_start3A_31 = tpu.memref_slice %arg13[%dma_start3A_28] : memref<3x!tpu.dma_semaphore, #tpu.memory_space<semaphore_mem>> -> memref<1x!tpu.dma_semaphore, #tpu.memory_space<semaphore_mem>>
    %dma_start3A_32 = tpu.memref_squeeze %dma_start3A_31 : memref<1x!tpu.dma_semaphore, #tpu.memory_space<semaphore_mem>> -> memref<!tpu.dma_semaphore, #tpu.memory_space<semaphore_mem>>
    tpu.enqueue_indirect_dma source(%dma_start3A_30 : memref<1000000xi32, #tpu.memory_space<vmem_shared>>) target(%arg9 : memref<10240xi32, #tpu.memory_space<vmem>>) offsets(%arg6 : memref<10240xi32, #tpu.memory_space<vmem>>) semaphore(%dma_start3A_32 : memref<!tpu.dma_semaphore, #tpu.memory_space<semaphore_mem>>)
    %dma_wait3A_33 = arith.constant 1 : i32
    %dma_wait3A_34 = tpu.memref_slice %arg2[%add3A_10] : memref<3276800xi32, #tpu.memory_space<hbm>> -> memref<10240xi32, #tpu.memory_space<hbm>>
    %dma_wait3A_35 = tpu.memref_slice %arg12[%dma_wait3A_33] : memref<3x!tpu.dma_semaphore, #tpu.memory_space<semaphore_mem>> -> memref<1x!tpu.dma_semaphore, #tpu.memory_space<semaphore_mem>>
    %dma_wait3A_36 = tpu.memref_squeeze %dma_wait3A_35 : memref<1x!tpu.dma_semaphore, #tpu.memory_space<semaphore_mem>> -> memref<!tpu.dma_semaphore, #tpu.memory_space<semaphore_mem>>
    %dma_wait3A_37 = tpu.memref_slice %arg2[%add3A_10] : memref<3276800xi32, #tpu.memory_space<hbm>> -> memref<10240xi32, #tpu.memory_space<hbm>>
    tpu.wait_dma2 semaphore(%dma_wait3A_36 : memref<!tpu.dma_semaphore, #tpu.memory_space<semaphore_mem>>) src(%dma_wait3A_37 : memref<10240xi32, #tpu.memory_space<hbm>>) dst(%arg7 : memref<10240xi32, #tpu.memory_space<vmem>>)
    %dma_start3A_38 = arith.constant 1 : i32
    %dma_start3A_39 = arith.constant 0 : i32
    %dma_start3A_40 = tpu.memref_slice %arg5[%dma_start3A_39] : memref<1000000xi32, #tpu.memory_space<vmem_shared>> -> memref<1000000xi32, #tpu.memory_space<vmem_shared>>
    %dma_start3A_41 = tpu.memref_slice %arg13[%dma_start3A_38] : memref<3x!tpu.dma_semaphore, #tpu.memory_space<semaphore_mem>> -> memref<1x!tpu.dma_semaphore, #tpu.memory_space<semaphore_mem>>
    %dma_start3A_42 = tpu.memref_squeeze %dma_start3A_41 : memref<1x!tpu.dma_semaphore, #tpu.memory_space<semaphore_mem>> -> memref<!tpu.dma_semaphore, #tpu.memory_space<semaphore_mem>>
    tpu.enqueue_indirect_dma source(%dma_start3A_40 : memref<1000000xi32, #tpu.memory_space<vmem_shared>>) target(%arg10 : memref<10240xi32, #tpu.memory_space<vmem>>) offsets(%arg7 : memref<10240xi32, #tpu.memory_space<vmem>>) semaphore(%dma_start3A_42 : memref<!tpu.dma_semaphore, #tpu.memory_space<semaphore_mem>>)
    %dma_wait3A_43 = arith.constant 0 : i32
    %dma_wait3A_44 = arith.constant 0 : i32
    %dma_wait3A_45 = tpu.memref_slice %arg5[%dma_wait3A_44] : memref<1000000xi32, #tpu.memory_space<vmem_shared>> -> memref<1000000xi32, #tpu.memory_space<vmem_shared>>
    %dma_wait3A_46 = tpu.memref_slice %arg13[%dma_wait3A_43] : memref<3x!tpu.dma_semaphore, #tpu.memory_space<semaphore_mem>> -> memref<1x!tpu.dma_semaphore, #tpu.memory_space<semaphore_mem>>
    %dma_wait3A_47 = tpu.memref_squeeze %dma_wait3A_46 : memref<1x!tpu.dma_semaphore, #tpu.memory_space<semaphore_mem>> -> memref<!tpu.dma_semaphore, #tpu.memory_space<semaphore_mem>>
    tpu.wait_indirect_dma semaphore(%dma_wait3A_47 : memref<!tpu.dma_semaphore, #tpu.memory_space<semaphore_mem>>) src(%dma_wait3A_45 : memref<1000000xi32, #tpu.memory_space<vmem_shared>>) dst(%arg9 : memref<10240xi32, #tpu.memory_space<vmem>>)
    %add3A_48 = arith.constant 0 : i32
    %add3A_49 = arith.addi %mul3A_2, %add3A_48 : i32
    %dma_start3A_50 = arith.constant 0 : i32
    %dma_start3A_51 = tpu.memref_slice %arg4[%add3A_49] : memref<3276800xi32, #tpu.memory_space<hbm>> -> memref<10240xi32, #tpu.memory_space<hbm>>
    %dma_start3A_52 = tpu.memref_slice %arg14[%dma_start3A_50] : memref<3x!tpu.dma_semaphore, #tpu.memory_space<semaphore_mem>> -> memref<1x!tpu.dma_semaphore, #tpu.memory_space<semaphore_mem>>
    %dma_start3A_53 = tpu.memref_squeeze %dma_start3A_52 : memref<1x!tpu.dma_semaphore, #tpu.memory_space<semaphore_mem>> -> memref<!tpu.dma_semaphore, #tpu.memory_space<semaphore_mem>>
    %dma_start3A_54 = tpu.memref_slice %arg4[%add3A_49] : memref<3276800xi32, #tpu.memory_space<hbm>> -> memref<10240xi32, #tpu.memory_space<hbm>>
    tpu.enqueue_dma source(%arg9 : memref<10240xi32, #tpu.memory_space<vmem>>) target(%dma_start3A_54 : memref<10240xi32, #tpu.memory_space<hbm>>) target_semaphore(%dma_start3A_53 : memref<!tpu.dma_semaphore, #tpu.memory_space<semaphore_mem>>)
    %add3A_55 = arith.constant 30720 : i32
    %add3A_56 = arith.addi %mul3A_2, %add3A_55 : i32
    %dma_start3A_57 = arith.constant 0 : i32
    %dma_start3A_58 = tpu.memref_slice %arg2[%add3A_56] : memref<3276800xi32, #tpu.memory_space<hbm>> -> memref<10240xi32, #tpu.memory_space<hbm>>
    %dma_start3A_59 = tpu.memref_slice %arg12[%dma_start3A_57] : memref<3x!tpu.dma_semaphore, #tpu.memory_space<semaphore_mem>> -> memref<1x!tpu.dma_semaphore, #tpu.memory_space<semaphore_mem>>
    %dma_start3A_60 = tpu.memref_squeeze %dma_start3A_59 : memref<1x!tpu.dma_semaphore, #tpu.memory_space<semaphore_mem>> -> memref<!tpu.dma_semaphore, #tpu.memory_space<semaphore_mem>>
    %dma_start3A_61 = tpu.memref_slice %arg2[%add3A_56] : memref<3276800xi32, #tpu.memory_space<hbm>> -> memref<10240xi32, #tpu.memory_space<hbm>>
    tpu.enqueue_dma source(%dma_start3A_61 : memref<10240xi32, #tpu.memory_space<hbm>>) target(%arg6 : memref<10240xi32, #tpu.memory_space<vmem>>) target_semaphore(%dma_start3A_60 : memref<!tpu.dma_semaphore, #tpu.memory_space<semaphore_mem>>)
    %dma_wait3A_62 = arith.constant 2 : i32
    %dma_wait3A_63 = tpu.memref_slice %arg2[%add3A_17] : memref<3276800xi32, #tpu.memory_space<hbm>> -> memref<10240xi32, #tpu.memory_space<hbm>>
    %dma_wait3A_64 = tpu.memref_slice %arg12[%dma_wait3A_62] : memref<3x!tpu.dma_semaphore, #tpu.memory_space<semaphore_mem>> -> memref<1x!tpu.dma_semaphore, #tpu.memory_space<semaphore_mem>>
    %dma_wait3A_65 = tpu.memref_squeeze %dma_wait3A_64 : memref<1x!tpu.dma_semaphore, #tpu.memory_space<semaphore_mem>> -> memref<!tpu.dma_semaphore, #tpu.memory_space<semaphore_mem>>
    %dma_wait3A_66 = tpu.memref_slice %arg2[%add3A_17] : memref<3276800xi32, #tpu.memory_space<hbm>> -> memref<10240xi32, #tpu.memory_space<hbm>>
    tpu.wait_dma2 semaphore(%dma_wait3A_65 : memref<!tpu.dma_semaphore, #tpu.memory_space<semaphore_mem>>) src(%dma_wait3A_66 : memref<10240xi32, #tpu.memory_space<hbm>>) dst(%arg8 : memref<10240xi32, #tpu.memory_space<vmem>>)
    %dma_start3A_67 = arith.constant 2 : i32
    %dma_start3A_68 = arith.constant 0 : i32
    %dma_start3A_69 = tpu.memref_slice %arg5[%dma_start3A_68] : memref<1000000xi32, #tpu.memory_space<vmem_shared>> -> memref<1000000xi32, #tpu.memory_space<vmem_shared>>
    %dma_start3A_70 = tpu.memref_slice %arg13[%dma_start3A_67] : memref<3x!tpu.dma_semaphore, #tpu.memory_space<semaphore_mem>> -> memref<1x!tpu.dma_semaphore, #tpu.memory_space<semaphore_mem>>
    %dma_start3A_71 = tpu.memref_squeeze %dma_start3A_70 : memref<1x!tpu.dma_semaphore, #tpu.memory_space<semaphore_mem>> -> memref<!tpu.dma_semaphore, #tpu.memory_space<semaphore_mem>>
    tpu.enqueue_indirect_dma source(%dma_start3A_69 : memref<1000000xi32, #tpu.memory_space<vmem_shared>>) target(%arg11 : memref<10240xi32, #tpu.memory_space<vmem>>) offsets(%arg8 : memref<10240xi32, #tpu.memory_space<vmem>>) semaphore(%dma_start3A_71 : memref<!tpu.dma_semaphore, #tpu.memory_space<semaphore_mem>>)
    %dma_wait3A_72 = arith.constant 1 : i32
    %dma_wait3A_73 = arith.constant 0 : i32
    %dma_wait3A_74 = tpu.memref_slice %arg5[%dma_wait3A_73] : memref<1000000xi32, #tpu.memory_space<vmem_shared>> -> memref<1000000xi32, #tpu.memory_space<vmem_shared>>
    %dma_wait3A_75 = tpu.memref_slice %arg13[%dma_wait3A_72] : memref<3x!tpu.dma_semaphore, #tpu.memory_space<semaphore_mem>> -> memref<1x!tpu.dma_semaphore, #tpu.memory_space<semaphore_mem>>
    %dma_wait3A_76 = tpu.memref_squeeze %dma_wait3A_75 : memref<1x!tpu.dma_semaphore, #tpu.memory_space<semaphore_mem>> -> memref<!tpu.dma_semaphore, #tpu.memory_space<semaphore_mem>>
    tpu.wait_indirect_dma semaphore(%dma_wait3A_76 : memref<!tpu.dma_semaphore, #tpu.memory_space<semaphore_mem>>) src(%dma_wait3A_74 : memref<1000000xi32, #tpu.memory_space<vmem_shared>>) dst(%arg10 : memref<10240xi32, #tpu.memory_space<vmem>>)
    %add3A_77 = arith.constant 10240 : i32
    %add3A_78 = arith.addi %mul3A_2, %add3A_77 : i32
    %dma_start3A_79 = arith.constant 1 : i32
    %dma_start3A_80 = tpu.memref_slice %arg4[%add3A_78] : memref<3276800xi32, #tpu.memory_space<hbm>> -> memref<10240xi32, #tpu.memory_space<hbm>>
    %dma_start3A_81 = tpu.memref_slice %arg14[%dma_start3A_79] : memref<3x!tpu.dma_semaphore, #tpu.memory_space<semaphore_mem>> -> memref<1x!tpu.dma_semaphore, #tpu.memory_space<semaphore_mem>>
    %dma_start3A_82 = tpu.memref_squeeze %dma_start3A_81 : memref<1x!tpu.dma_semaphore, #tpu.memory_space<semaphore_mem>> -> memref<!tpu.dma_semaphore, #tpu.memory_space<semaphore_mem>>
    %dma_start3A_83 = tpu.memref_slice %arg4[%add3A_78] : memref<3276800xi32, #tpu.memory_space<hbm>> -> memref<10240xi32, #tpu.memory_space<hbm>>
    tpu.enqueue_dma source(%arg10 : memref<10240xi32, #tpu.memory_space<vmem>>) target(%dma_start3A_83 : memref<10240xi32, #tpu.memory_space<hbm>>) target_semaphore(%dma_start3A_82 : memref<!tpu.dma_semaphore, #tpu.memory_space<semaphore_mem>>)
    %add3A_84 = arith.constant 40960 : i32
    %add3A_85 = arith.addi %mul3A_2, %add3A_84 : i32
    %dma_start3A_86 = arith.constant 1 : i32
    %dma_start3A_87 = tpu.memref_slice %arg2[%add3A_85] : memref<3276800xi32, #tpu.memory_space<hbm>> -> memref<10240xi32, #tpu.memory_space<hbm>>
    %dma_start3A_88 = tpu.memref_slice %arg12[%dma_start3A_86] : memref<3x!tpu.dma_semaphore, #tpu.memory_space<semaphore_mem>> -> memref<1x!tpu.dma_semaphore, #tpu.memory_space<semaphore_mem>>
    %dma_start3A_89 = tpu.memref_squeeze %dma_start3A_88 : memref<1x!tpu.dma_semaphore, #tpu.memory_space<semaphore_mem>> -> memref<!tpu.dma_semaphore, #tpu.memory_space<semaphore_mem>>
    %dma_start3A_90 = tpu.memref_slice %arg2[%add3A_85] : memref<3276800xi32, #tpu.memory_space<hbm>> -> memref<10240xi32, #tpu.memory_space<hbm>>
    tpu.enqueue_dma source(%dma_start3A_90 : memref<10240xi32, #tpu.memory_space<hbm>>) target(%arg7 : memref<10240xi32, #tpu.memory_space<vmem>>) target_semaphore(%dma_start3A_89 : memref<!tpu.dma_semaphore, #tpu.memory_space<semaphore_mem>>)
    %dma_wait3A_91 = arith.constant 0 : i32
    %dma_wait3A_92 = tpu.memref_slice %arg2[%add3A_56] : memref<3276800xi32, #tpu.memory_space<hbm>> -> memref<10240xi32, #tpu.memory_space<hbm>>
    %dma_wait3A_93 = tpu.memref_slice %arg12[%dma_wait3A_91] : memref<3x!tpu.dma_semaphore, #tpu.memory_space<semaphore_mem>> -> memref<1x!tpu.dma_semaphore, #tpu.memory_space<semaphore_mem>>
    %dma_wait3A_94 = tpu.memref_squeeze %dma_wait3A_93 : memref<1x!tpu.dma_semaphore, #tpu.memory_space<semaphore_mem>> -> memref<!tpu.dma_semaphore, #tpu.memory_space<semaphore_mem>>
    %dma_wait3A_95 = tpu.memref_slice %arg2[%add3A_56] : memref<3276800xi32, #tpu.memory_space<hbm>> -> memref<10240xi32, #tpu.memory_space<hbm>>
    tpu.wait_dma2 semaphore(%dma_wait3A_94 : memref<!tpu.dma_semaphore, #tpu.memory_space<semaphore_mem>>) src(%dma_wait3A_95 : memref<10240xi32, #tpu.memory_space<hbm>>) dst(%arg6 : memref<10240xi32, #tpu.memory_space<vmem>>)
    %dma_wait3A_96 = arith.constant 0 : i32
    %dma_wait3A_97 = tpu.memref_slice %arg4[%add3A_49] : memref<3276800xi32, #tpu.memory_space<hbm>> -> memref<10240xi32, #tpu.memory_space<hbm>>
    %dma_wait3A_98 = tpu.memref_slice %arg14[%dma_wait3A_96] : memref<3x!tpu.dma_semaphore, #tpu.memory_space<semaphore_mem>> -> memref<1x!tpu.dma_semaphore, #tpu.memory_space<semaphore_mem>>
    %dma_wait3A_99 = tpu.memref_squeeze %dma_wait3A_98 : memref<1x!tpu.dma_semaphore, #tpu.memory_space<semaphore_mem>> -> memref<!tpu.dma_semaphore, #tpu.memory_space<semaphore_mem>>
    %dma_wait3A_100 = tpu.memref_slice %arg4[%add3A_49] : memref<3276800xi32, #tpu.memory_space<hbm>> -> memref<10240xi32, #tpu.memory_space<hbm>>
    tpu.wait_dma2 semaphore(%dma_wait3A_99 : memref<!tpu.dma_semaphore, #tpu.memory_space<semaphore_mem>>) src(%arg9 : memref<10240xi32, #tpu.memory_space<vmem>>) dst(%dma_wait3A_100 : memref<10240xi32, #tpu.memory_space<hbm>>)
    %dma_start3A_101 = arith.constant 0 : i32
    %dma_start3A_102 = arith.constant 0 : i32
    %dma_start3A_103 = tpu.memref_slice %arg5[%dma_start3A_102] : memref<1000000xi32, #tpu.memory_space<vmem_shared>> -> memref<1000000xi32, #tpu.memory_space<vmem_shared>>
    %dma_start3A_104 = tpu.memref_slice %arg13[%dma_start3A_101] : memref<3x!tpu.dma_semaphore, #tpu.memory_space<semaphore_mem>> -> memref<1x!tpu.dma_semaphore, #tpu.memory_space<semaphore_mem>>
    %dma_start3A_105 = tpu.memref_squeeze %dma_start3A_104 : memref<1x!tpu.dma_semaphore, #tpu.memory_space<semaphore_mem>> -> memref<!tpu.dma_semaphore, #tpu.memory_space<semaphore_mem>>
    tpu.enqueue_indirect_dma source(%dma_start3A_103 : memref<1000000xi32, #tpu.memory_space<vmem_shared>>) target(%arg9 : memref<10240xi32, #tpu.memory_space<vmem>>) offsets(%arg6 : memref<10240xi32, #tpu.memory_space<vmem>>) semaphore(%dma_start3A_105 : memref<!tpu.dma_semaphore, #tpu.memory_space<semaphore_mem>>)
    %dma_wait3A_106 = arith.constant 2 : i32
    %dma_wait3A_107 = arith.constant 0 : i32
    %dma_wait3A_108 = tpu.memref_slice %arg5[%dma_wait3A_107] : memref<1000000xi32, #tpu.memory_space<vmem_shared>> -> memref<1000000xi32, #tpu.memory_space<vmem_shared>>
    %dma_wait3A_109 = tpu.memref_slice %arg13[%dma_wait3A_106] : memref<3x!tpu.dma_semaphore, #tpu.memory_space<semaphore_mem>> -> memref<1x!tpu.dma_semaphore, #tpu.memory_space<semaphore_mem>>
    %dma_wait3A_110 = tpu.memref_squeeze %dma_wait3A_109 : memref<1x!tpu.dma_semaphore, #tpu.memory_space<semaphore_mem>> -> memref<!tpu.dma_semaphore, #tpu.memory_space<semaphore_mem>>
    tpu.wait_indirect_dma semaphore(%dma_wait3A_110 : memref<!tpu.dma_semaphore, #tpu.memory_space<semaphore_mem>>) src(%dma_wait3A_108 : memref<1000000xi32, #tpu.memory_space<vmem_shared>>) dst(%arg11 : memref<10240xi32, #tpu.memory_space<vmem>>)
    %add3A_111 = arith.constant 20480 : i32
    %add3A_112 = arith.addi %mul3A_2, %add3A_111 : i32
    %dma_start3A_113 = arith.constant 2 : i32
    %dma_start3A_114 = tpu.memref_slice %arg4[%add3A_112] : memref<3276800xi32, #tpu.memory_space<hbm>> -> memref<10240xi32, #tpu.memory_space<hbm>>
    %dma_start3A_115 = tpu.memref_slice %arg14[%dma_start3A_113] : memref<3x!tpu.dma_semaphore, #tpu.memory_space<semaphore_mem>> -> memref<1x!tpu.dma_semaphore, #tpu.memory_space<semaphore_mem>>
    %dma_start3A_116 = tpu.memref_squeeze %dma_start3A_115 : memref<1x!tpu.dma_semaphore, #tpu.memory_space<semaphore_mem>> -> memref<!tpu.dma_semaphore, #tpu.memory_space<semaphore_mem>>
    %dma_start3A_117 = tpu.memref_slice %arg4[%add3A_112] : memref<3276800xi32, #tpu.memory_space<hbm>> -> memref<10240xi32, #tpu.memory_space<hbm>>
    tpu.enqueue_dma source(%arg11 : memref<10240xi32, #tpu.memory_space<vmem>>) target(%dma_start3A_117 : memref<10240xi32, #tpu.memory_space<hbm>>) target_semaphore(%dma_start3A_116 : memref<!tpu.dma_semaphore, #tpu.memory_space<semaphore_mem>>)
    %add3A_118 = arith.constant 51200 : i32
    %add3A_119 = arith.addi %mul3A_2, %add3A_118 : i32
    %dma_start3A_120 = arith.constant 2 : i32
    %dma_start3A_121 = tpu.memref_slice %arg2[%add3A_119] : memref<3276800xi32, #tpu.memory_space<hbm>> -> memref<10240xi32, #tpu.memory_space<hbm>>
    %dma_start3A_122 = tpu.memref_slice %arg12[%dma_start3A_120] : memref<3x!tpu.dma_semaphore, #tpu.memory_space<semaphore_mem>> -> memref<1x!tpu.dma_semaphore, #tpu.memory_space<semaphore_mem>>
    %dma_start3A_123 = tpu.memref_squeeze %dma_start3A_122 : memref<1x!tpu.dma_semaphore, #tpu.memory_space<semaphore_mem>> -> memref<!tpu.dma_semaphore, #tpu.memory_space<semaphore_mem>>
    %dma_start3A_124 = tpu.memref_slice %arg2[%add3A_119] : memref<3276800xi32, #tpu.memory_space<hbm>> -> memref<10240xi32, #tpu.memory_space<hbm>>
    tpu.enqueue_dma source(%dma_start3A_124 : memref<10240xi32, #tpu.memory_space<hbm>>) target(%arg8 : memref<10240xi32, #tpu.memory_space<vmem>>) target_semaphore(%dma_start3A_123 : memref<!tpu.dma_semaphore, #tpu.memory_space<semaphore_mem>>)
    %dma_wait3A_125 = arith.constant 1 : i32
    %dma_wait3A_126 = tpu.memref_slice %arg2[%add3A_85] : memref<3276800xi32, #tpu.memory_space<hbm>> -> memref<10240xi32, #tpu.memory_space<hbm>>
    %dma_wait3A_127 = tpu.memref_slice %arg12[%dma_wait3A_125] : memref<3x!tpu.dma_semaphore, #tpu.memory_space<semaphore_mem>> -> memref<1x!tpu.dma_semaphore, #tpu.memory_space<semaphore_mem>>
    %dma_wait3A_128 = tpu.memref_squeeze %dma_wait3A_127 : memref<1x!tpu.dma_semaphore, #tpu.memory_space<semaphore_mem>> -> memref<!tpu.dma_semaphore, #tpu.memory_space<semaphore_mem>>
    %dma_wait3A_129 = tpu.memref_slice %arg2[%add3A_85] : memref<3276800xi32, #tpu.memory_space<hbm>> -> memref<10240xi32, #tpu.memory_space<hbm>>
    tpu.wait_dma2 semaphore(%dma_wait3A_128 : memref<!tpu.dma_semaphore, #tpu.memory_space<semaphore_mem>>) src(%dma_wait3A_129 : memref<10240xi32, #tpu.memory_space<hbm>>) dst(%arg7 : memref<10240xi32, #tpu.memory_space<vmem>>)
    %dma_wait3A_130 = arith.constant 1 : i32
    %dma_wait3A_131 = tpu.memref_slice %arg4[%add3A_78] : memref<3276800xi32, #tpu.memory_space<hbm>> -> memref<10240xi32, #tpu.memory_space<hbm>>
    %dma_wait3A_132 = tpu.memref_slice %arg14[%dma_wait3A_130] : memref<3x!tpu.dma_semaphore, #tpu.memory_space<semaphore_mem>> -> memref<1x!tpu.dma_semaphore, #tpu.memory_space<semaphore_mem>>
    %dma_wait3A_133 = tpu.memref_squeeze %dma_wait3A_132 : memref<1x!tpu.dma_semaphore, #tpu.memory_space<semaphore_mem>> -> memref<!tpu.dma_semaphore, #tpu.memory_space<semaphore_mem>>
    %dma_wait3A_134 = tpu.memref_slice %arg4[%add3A_78] : memref<3276800xi32, #tpu.memory_space<hbm>> -> memref<10240xi32, #tpu.memory_space<hbm>>
    tpu.wait_dma2 semaphore(%dma_wait3A_133 : memref<!tpu.dma_semaphore, #tpu.memory_space<semaphore_mem>>) src(%arg10 : memref<10240xi32, #tpu.memory_space<vmem>>) dst(%dma_wait3A_134 : memref<10240xi32, #tpu.memory_space<hbm>>)
    %dma_start3A_135 = arith.constant 1 : i32
    %dma_start3A_136 = arith.constant 0 : i32
    %dma_start3A_137 = tpu.memref_slice %arg5[%dma_start3A_136] : memref<1000000xi32, #tpu.memory_space<vmem_shared>> -> memref<1000000xi32, #tpu.memory_space<vmem_shared>>
    %dma_start3A_138 = tpu.memref_slice %arg13[%dma_start3A_135] : memref<3x!tpu.dma_semaphore, #tpu.memory_space<semaphore_mem>> -> memref<1x!tpu.dma_semaphore, #tpu.memory_space<semaphore_mem>>
    %dma_start3A_139 = tpu.memref_squeeze %dma_start3A_138 : memref<1x!tpu.dma_semaphore, #tpu.memory_space<semaphore_mem>> -> memref<!tpu.dma_semaphore, #tpu.memory_space<semaphore_mem>>
    tpu.enqueue_indirect_dma source(%dma_start3A_137 : memref<1000000xi32, #tpu.memory_space<vmem_shared>>) target(%arg10 : memref<10240xi32, #tpu.memory_space<vmem>>) offsets(%arg7 : memref<10240xi32, #tpu.memory_space<vmem>>) semaphore(%dma_start3A_139 : memref<!tpu.dma_semaphore, #tpu.memory_space<semaphore_mem>>)
    %dma_wait3A_140 = arith.constant 0 : i32
    %dma_wait3A_141 = arith.constant 0 : i32
    %dma_wait3A_142 = tpu.memref_slice %arg5[%dma_wait3A_141] : memref<1000000xi32, #tpu.memory_space<vmem_shared>> -> memref<1000000xi32, #tpu.memory_space<vmem_shared>>
    %dma_wait3A_143 = tpu.memref_slice %arg13[%dma_wait3A_140] : memref<3x!tpu.dma_semaphore, #tpu.memory_space<semaphore_mem>> -> memref<1x!tpu.dma_semaphore, #tpu.memory_space<semaphore_mem>>
    %dma_wait3A_144 = tpu.memref_squeeze %dma_wait3A_143 : memref<1x!tpu.dma_semaphore, #tpu.memory_space<semaphore_mem>> -> memref<!tpu.dma_semaphore, #tpu.memory_space<semaphore_mem>>
    tpu.wait_indirect_dma semaphore(%dma_wait3A_144 : memref<!tpu.dma_semaphore, #tpu.memory_space<semaphore_mem>>) src(%dma_wait3A_142 : memref<1000000xi32, #tpu.memory_space<vmem_shared>>) dst(%arg9 : memref<10240xi32, #tpu.memory_space<vmem>>)
    %add3A_145 = arith.constant 30720 : i32
    %add3A_146 = arith.addi %mul3A_2, %add3A_145 : i32
    %dma_start3A_147 = arith.constant 0 : i32
    %dma_start3A_148 = tpu.memref_slice %arg4[%add3A_146] : memref<3276800xi32, #tpu.memory_space<hbm>> -> memref<10240xi32, #tpu.memory_space<hbm>>
    %dma_start3A_149 = tpu.memref_slice %arg14[%dma_start3A_147] : memref<3x!tpu.dma_semaphore, #tpu.memory_space<semaphore_mem>> -> memref<1x!tpu.dma_semaphore, #tpu.memory_space<semaphore_mem>>
    %dma_start3A_150 = tpu.memref_squeeze %dma_start3A_149 : memref<1x!tpu.dma_semaphore, #tpu.memory_space<semaphore_mem>> -> memref<!tpu.dma_semaphore, #tpu.memory_space<semaphore_mem>>
    %dma_start3A_151 = tpu.memref_slice %arg4[%add3A_146] : memref<3276800xi32, #tpu.memory_space<hbm>> -> memref<10240xi32, #tpu.memory_space<hbm>>
    tpu.enqueue_dma source(%arg9 : memref<10240xi32, #tpu.memory_space<vmem>>) target(%dma_start3A_151 : memref<10240xi32, #tpu.memory_space<hbm>>) target_semaphore(%dma_start3A_150 : memref<!tpu.dma_semaphore, #tpu.memory_space<semaphore_mem>>)
    %add3A_152 = arith.constant 61440 : i32
    %add3A_153 = arith.addi %mul3A_2, %add3A_152 : i32
    %dma_start3A_154 = arith.constant 0 : i32
    %dma_start3A_155 = tpu.memref_slice %arg2[%add3A_153] : memref<3276800xi32, #tpu.memory_space<hbm>> -> memref<10240xi32, #tpu.memory_space<hbm>>
    %dma_start3A_156 = tpu.memref_slice %arg12[%dma_start3A_154] : memref<3x!tpu.dma_semaphore, #tpu.memory_space<semaphore_mem>> -> memref<1x!tpu.dma_semaphore, #tpu.memory_space<semaphore_mem>>
    %dma_start3A_157 = tpu.memref_squeeze %dma_start3A_156 : memref<1x!tpu.dma_semaphore, #tpu.memory_space<semaphore_mem>> -> memref<!tpu.dma_semaphore, #tpu.memory_space<semaphore_mem>>
    %dma_start3A_158 = tpu.memref_slice %arg2[%add3A_153] : memref<3276800xi32, #tpu.memory_space<hbm>> -> memref<10240xi32, #tpu.memory_space<hbm>>
    tpu.enqueue_dma source(%dma_start3A_158 : memref<10240xi32, #tpu.memory_space<hbm>>) target(%arg6 : memref<10240xi32, #tpu.memory_space<vmem>>) target_semaphore(%dma_start3A_157 : memref<!tpu.dma_semaphore, #tpu.memory_space<semaphore_mem>>)
    %dma_wait3A_159 = arith.constant 2 : i32
    %dma_wait3A_160 = tpu.memref_slice %arg2[%add3A_119] : memref<3276800xi32, #tpu.memory_space<hbm>> -> memref<10240xi32, #tpu.memory_space<hbm>>
    %dma_wait3A_161 = tpu.memref_slice %arg12[%dma_wait3A_159] : memref<3x!tpu.dma_semaphore, #tpu.memory_space<semaphore_mem>> -> memref<1x!tpu.dma_semaphore, #tpu.memory_space<semaphore_mem>>
    %dma_wait3A_162 = tpu.memref_squeeze %dma_wait3A_161 : memref<1x!tpu.dma_semaphore, #tpu.memory_space<semaphore_mem>> -> memref<!tpu.dma_semaphore, #tpu.memory_space<semaphore_mem>>
    %dma_wait3A_163 = tpu.memref_slice %arg2[%add3A_119] : memref<3276800xi32, #tpu.memory_space<hbm>> -> memref<10240xi32, #tpu.memory_space<hbm>>
    tpu.wait_dma2 semaphore(%dma_wait3A_162 : memref<!tpu.dma_semaphore, #tpu.memory_space<semaphore_mem>>) src(%dma_wait3A_163 : memref<10240xi32, #tpu.memory_space<hbm>>) dst(%arg8 : memref<10240xi32, #tpu.memory_space<vmem>>)
    %dma_wait3A_164 = arith.constant 2 : i32
    %dma_wait3A_165 = tpu.memref_slice %arg4[%add3A_112] : memref<3276800xi32, #tpu.memory_space<hbm>> -> memref<10240xi32, #tpu.memory_space<hbm>>
    %dma_wait3A_166 = tpu.memref_slice %arg14[%dma_wait3A_164] : memref<3x!tpu.dma_semaphore, #tpu.memory_space<semaphore_mem>> -> memref<1x!tpu.dma_semaphore, #tpu.memory_space<semaphore_mem>>
    %dma_wait3A_167 = tpu.memref_squeeze %dma_wait3A_166 : memref<1x!tpu.dma_semaphore, #tpu.memory_space<semaphore_mem>> -> memref<!tpu.dma_semaphore, #tpu.memory_space<semaphore_mem>>
    %dma_wait3A_168 = tpu.memref_slice %arg4[%add3A_112] : memref<3276800xi32, #tpu.memory_space<hbm>> -> memref<10240xi32, #tpu.memory_space<hbm>>
    tpu.wait_dma2 semaphore(%dma_wait3A_167 : memref<!tpu.dma_semaphore, #tpu.memory_space<semaphore_mem>>) src(%arg11 : memref<10240xi32, #tpu.memory_space<vmem>>) dst(%dma_wait3A_168 : memref<10240xi32, #tpu.memory_space<hbm>>)
    %dma_start3A_169 = arith.constant 2 : i32
    %dma_start3A_170 = arith.constant 0 : i32
    %dma_start3A_171 = tpu.memref_slice %arg5[%dma_start3A_170] : memref<1000000xi32, #tpu.memory_space<vmem_shared>> -> memref<1000000xi32, #tpu.memory_space<vmem_shared>>
    %dma_start3A_172 = tpu.memref_slice %arg13[%dma_start3A_169] : memref<3x!tpu.dma_semaphore, #tpu.memory_space<semaphore_mem>> -> memref<1x!tpu.dma_semaphore, #tpu.memory_space<semaphore_mem>>
    %dma_start3A_173 = tpu.memref_squeeze %dma_start3A_172 : memref<1x!tpu.dma_semaphore, #tpu.memory_space<semaphore_mem>> -> memref<!tpu.dma_semaphore, #tpu.memory_space<semaphore_mem>>
    tpu.enqueue_indirect_dma source(%dma_start3A_171 : memref<1000000xi32, #tpu.memory_space<vmem_shared>>) target(%arg11 : memref<10240xi32, #tpu.memory_space<vmem>>) offsets(%arg8 : memref<10240xi32, #tpu.memory_space<vmem>>) semaphore(%dma_start3A_173 : memref<!tpu.dma_semaphore, #tpu.memory_space<semaphore_mem>>)
    %dma_wait3A_174 = arith.constant 1 : i32
    %dma_wait3A_175 = arith.constant 0 : i32
    %dma_wait3A_176 = tpu.memref_slice %arg5[%dma_wait3A_175] : memref<1000000xi32, #tpu.memory_space<vmem_shared>> -> memref<1000000xi32, #tpu.memory_space<vmem_shared>>
    %dma_wait3A_177 = tpu.memref_slice %arg13[%dma_wait3A_174] : memref<3x!tpu.dma_semaphore, #tpu.memory_space<semaphore_mem>> -> memref<1x!tpu.dma_semaphore, #tpu.memory_space<semaphore_mem>>
    %dma_wait3A_178 = tpu.memref_squeeze %dma_wait3A_177 : memref<1x!tpu.dma_semaphore, #tpu.memory_space<semaphore_mem>> -> memref<!tpu.dma_semaphore, #tpu.memory_space<semaphore_mem>>
    tpu.wait_indirect_dma semaphore(%dma_wait3A_178 : memref<!tpu.dma_semaphore, #tpu.memory_space<semaphore_mem>>) src(%dma_wait3A_176 : memref<1000000xi32, #tpu.memory_space<vmem_shared>>) dst(%arg10 : memref<10240xi32, #tpu.memory_space<vmem>>)
    %add3A_179 = arith.constant 40960 : i32
    %add3A_180 = arith.addi %mul3A_2, %add3A_179 : i32
    %dma_start3A_181 = arith.constant 1 : i32
    %dma_start3A_182 = tpu.memref_slice %arg4[%add3A_180] : memref<3276800xi32, #tpu.memory_space<hbm>> -> memref<10240xi32, #tpu.memory_space<hbm>>
    %dma_start3A_183 = tpu.memref_slice %arg14[%dma_start3A_181] : memref<3x!tpu.dma_semaphore, #tpu.memory_space<semaphore_mem>> -> memref<1x!tpu.dma_semaphore, #tpu.memory_space<semaphore_mem>>
    %dma_start3A_184 = tpu.memref_squeeze %dma_start3A_183 : memref<1x!tpu.dma_semaphore, #tpu.memory_space<semaphore_mem>> -> memref<!tpu.dma_semaphore, #tpu.memory_space<semaphore_mem>>
    %dma_start3A_185 = tpu.memref_slice %arg4[%add3A_180] : memref<3276800xi32, #tpu.memory_space<hbm>> -> memref<10240xi32, #tpu.memory_space<hbm>>
    tpu.enqueue_dma source(%arg10 : memref<10240xi32, #tpu.memory_space<vmem>>) target(%dma_start3A_185 : memref<10240xi32, #tpu.memory_space<hbm>>) target_semaphore(%dma_start3A_184 : memref<!tpu.dma_semaphore, #tpu.memory_space<semaphore_mem>>)
    %add3A_186 = arith.constant 71680 : i32
    %add3A_187 = arith.addi %mul3A_2, %add3A_186 : i32
    %dma_start3A_188 = arith.constant 1 : i32
    %dma_start3A_189 = tpu.memref_slice %arg2[%add3A_187] : memref<3276800xi32, #tpu.memory_space<hbm>> -> memref<10240xi32, #tpu.memory_space<hbm>>
    %dma_start3A_190 = tpu.memref_slice %arg12[%dma_start3A_188] : memref<3x!tpu.dma_semaphore, #tpu.memory_space<semaphore_mem>> -> memref<1x!tpu.dma_semaphore, #tpu.memory_space<semaphore_mem>>
    %dma_start3A_191 = tpu.memref_squeeze %dma_start3A_190 : memref<1x!tpu.dma_semaphore, #tpu.memory_space<semaphore_mem>> -> memref<!tpu.dma_semaphore, #tpu.memory_space<semaphore_mem>>
    %dma_start3A_192 = tpu.memref_slice %arg2[%add3A_187] : memref<3276800xi32, #tpu.memory_space<hbm>> -> memref<10240xi32, #tpu.memory_space<hbm>>
    tpu.enqueue_dma source(%dma_start3A_192 : memref<10240xi32, #tpu.memory_space<hbm>>) target(%arg7 : memref<10240xi32, #tpu.memory_space<vmem>>) target_semaphore(%dma_start3A_191 : memref<!tpu.dma_semaphore, #tpu.memory_space<semaphore_mem>>)
    %dma_wait3A_193 = arith.constant 0 : i32
    %dma_wait3A_194 = tpu.memref_slice %arg2[%add3A_153] : memref<3276800xi32, #tpu.memory_space<hbm>> -> memref<10240xi32, #tpu.memory_space<hbm>>
    %dma_wait3A_195 = tpu.memref_slice %arg12[%dma_wait3A_193] : memref<3x!tpu.dma_semaphore, #tpu.memory_space<semaphore_mem>> -> memref<1x!tpu.dma_semaphore, #tpu.memory_space<semaphore_mem>>
    %dma_wait3A_196 = tpu.memref_squeeze %dma_wait3A_195 : memref<1x!tpu.dma_semaphore, #tpu.memory_space<semaphore_mem>> -> memref<!tpu.dma_semaphore, #tpu.memory_space<semaphore_mem>>
    %dma_wait3A_197 = tpu.memref_slice %arg2[%add3A_153] : memref<3276800xi32, #tpu.memory_space<hbm>> -> memref<10240xi32, #tpu.memory_space<hbm>>
    tpu.wait_dma2 semaphore(%dma_wait3A_196 : memref<!tpu.dma_semaphore, #tpu.memory_space<semaphore_mem>>) src(%dma_wait3A_197 : memref<10240xi32, #tpu.memory_space<hbm>>) dst(%arg6 : memref<10240xi32, #tpu.memory_space<vmem>>)
    %dma_wait3A_198 = arith.constant 0 : i32
    %dma_wait3A_199 = tpu.memref_slice %arg4[%add3A_146] : memref<3276800xi32, #tpu.memory_space<hbm>> -> memref<10240xi32, #tpu.memory_space<hbm>>
    %dma_wait3A_200 = tpu.memref_slice %arg14[%dma_wait3A_198] : memref<3x!tpu.dma_semaphore, #tpu.memory_space<semaphore_mem>> -> memref<1x!tpu.dma_semaphore, #tpu.memory_space<semaphore_mem>>
    %dma_wait3A_201 = tpu.memref_squeeze %dma_wait3A_200 : memref<1x!tpu.dma_semaphore, #tpu.memory_space<semaphore_mem>> -> memref<!tpu.dma_semaphore, #tpu.memory_space<semaphore_mem>>
    %dma_wait3A_202 = tpu.memref_slice %arg4[%add3A_146] : memref<3276800xi32, #tpu.memory_space<hbm>> -> memref<10240xi32, #tpu.memory_space<hbm>>
    tpu.wait_dma2 semaphore(%dma_wait3A_201 : memref<!tpu.dma_semaphore, #tpu.memory_space<semaphore_mem>>) src(%arg9 : memref<10240xi32, #tpu.memory_space<vmem>>) dst(%dma_wait3A_202 : memref<10240xi32, #tpu.memory_space<hbm>>)
    %dma_start3A_203 = arith.constant 0 : i32
    %dma_start3A_204 = arith.constant 0 : i32
    %dma_start3A_205 = tpu.memref_slice %arg5[%dma_start3A_204] : memref<1000000xi32, #tpu.memory_space<vmem_shared>> -> memref<1000000xi32, #tpu.memory_space<vmem_shared>>
    %dma_start3A_206 = tpu.memref_slice %arg13[%dma_start3A_203] : memref<3x!tpu.dma_semaphore, #tpu.memory_space<semaphore_mem>> -> memref<1x!tpu.dma_semaphore, #tpu.memory_space<semaphore_mem>>
    %dma_start3A_207 = tpu.memref_squeeze %dma_start3A_206 : memref<1x!tpu.dma_semaphore, #tpu.memory_space<semaphore_mem>> -> memref<!tpu.dma_semaphore, #tpu.memory_space<semaphore_mem>>
    tpu.enqueue_indirect_dma source(%dma_start3A_205 : memref<1000000xi32, #tpu.memory_space<vmem_shared>>) target(%arg9 : memref<10240xi32, #tpu.memory_space<vmem>>) offsets(%arg6 : memref<10240xi32, #tpu.memory_space<vmem>>) semaphore(%dma_start3A_207 : memref<!tpu.dma_semaphore, #tpu.memory_space<semaphore_mem>>)
    %dma_wait3A_208 = arith.constant 2 : i32
    %dma_wait3A_209 = arith.constant 0 : i32
    %dma_wait3A_210 = tpu.memref_slice %arg5[%dma_wait3A_209] : memref<1000000xi32, #tpu.memory_space<vmem_shared>> -> memref<1000000xi32, #tpu.memory_space<vmem_shared>>
    %dma_wait3A_211 = tpu.memref_slice %arg13[%dma_wait3A_208] : memref<3x!tpu.dma_semaphore, #tpu.memory_space<semaphore_mem>> -> memref<1x!tpu.dma_semaphore, #tpu.memory_space<semaphore_mem>>
    %dma_wait3A_212 = tpu.memref_squeeze %dma_wait3A_211 : memref<1x!tpu.dma_semaphore, #tpu.memory_space<semaphore_mem>> -> memref<!tpu.dma_semaphore, #tpu.memory_space<semaphore_mem>>
    tpu.wait_indirect_dma semaphore(%dma_wait3A_212 : memref<!tpu.dma_semaphore, #tpu.memory_space<semaphore_mem>>) src(%dma_wait3A_210 : memref<1000000xi32, #tpu.memory_space<vmem_shared>>) dst(%arg11 : memref<10240xi32, #tpu.memory_space<vmem>>)
    %add3A_213 = arith.constant 51200 : i32
    %add3A_214 = arith.addi %mul3A_2, %add3A_213 : i32
    %dma_start3A_215 = arith.constant 2 : i32
    %dma_start3A_216 = tpu.memref_slice %arg4[%add3A_214] : memref<3276800xi32, #tpu.memory_space<hbm>> -> memref<10240xi32, #tpu.memory_space<hbm>>
    %dma_start3A_217 = tpu.memref_slice %arg14[%dma_start3A_215] : memref<3x!tpu.dma_semaphore, #tpu.memory_space<semaphore_mem>> -> memref<1x!tpu.dma_semaphore, #tpu.memory_space<semaphore_mem>>
    %dma_start3A_218 = tpu.memref_squeeze %dma_start3A_217 : memref<1x!tpu.dma_semaphore, #tpu.memory_space<semaphore_mem>> -> memref<!tpu.dma_semaphore, #tpu.memory_space<semaphore_mem>>
    %dma_start3A_219 = tpu.memref_slice %arg4[%add3A_214] : memref<3276800xi32, #tpu.memory_space<hbm>> -> memref<10240xi32, #tpu.memory_space<hbm>>
    tpu.enqueue_dma source(%arg11 : memref<10240xi32, #tpu.memory_space<vmem>>) target(%dma_start3A_219 : memref<10240xi32, #tpu.memory_space<hbm>>) target_semaphore(%dma_start3A_218 : memref<!tpu.dma_semaphore, #tpu.memory_space<semaphore_mem>>)
    %add3A_220 = arith.constant 81920 : i32
    %add3A_221 = arith.addi %mul3A_2, %add3A_220 : i32
    %dma_start3A_222 = arith.constant 2 : i32
    %dma_start3A_223 = tpu.memref_slice %arg2[%add3A_221] : memref<3276800xi32, #tpu.memory_space<hbm>> -> memref<10240xi32, #tpu.memory_space<hbm>>
    %dma_start3A_224 = tpu.memref_slice %arg12[%dma_start3A_222] : memref<3x!tpu.dma_semaphore, #tpu.memory_space<semaphore_mem>> -> memref<1x!tpu.dma_semaphore, #tpu.memory_space<semaphore_mem>>
    %dma_start3A_225 = tpu.memref_squeeze %dma_start3A_224 : memref<1x!tpu.dma_semaphore, #tpu.memory_space<semaphore_mem>> -> memref<!tpu.dma_semaphore, #tpu.memory_space<semaphore_mem>>
    %dma_start3A_226 = tpu.memref_slice %arg2[%add3A_221] : memref<3276800xi32, #tpu.memory_space<hbm>> -> memref<10240xi32, #tpu.memory_space<hbm>>
    tpu.enqueue_dma source(%dma_start3A_226 : memref<10240xi32, #tpu.memory_space<hbm>>) target(%arg8 : memref<10240xi32, #tpu.memory_space<vmem>>) target_semaphore(%dma_start3A_225 : memref<!tpu.dma_semaphore, #tpu.memory_space<semaphore_mem>>)
    %dma_wait3A_227 = arith.constant 1 : i32
    %dma_wait3A_228 = tpu.memref_slice %arg2[%add3A_187] : memref<3276800xi32, #tpu.memory_space<hbm>> -> memref<10240xi32, #tpu.memory_space<hbm>>
    %dma_wait3A_229 = tpu.memref_slice %arg12[%dma_wait3A_227] : memref<3x!tpu.dma_semaphore, #tpu.memory_space<semaphore_mem>> -> memref<1x!tpu.dma_semaphore, #tpu.memory_space<semaphore_mem>>
    %dma_wait3A_230 = tpu.memref_squeeze %dma_wait3A_229 : memref<1x!tpu.dma_semaphore, #tpu.memory_space<semaphore_mem>> -> memref<!tpu.dma_semaphore, #tpu.memory_space<semaphore_mem>>
    %dma_wait3A_231 = tpu.memref_slice %arg2[%add3A_187] : memref<3276800xi32, #tpu.memory_space<hbm>> -> memref<10240xi32, #tpu.memory_space<hbm>>
    tpu.wait_dma2 semaphore(%dma_wait3A_230 : memref<!tpu.dma_semaphore, #tpu.memory_space<semaphore_mem>>) src(%dma_wait3A_231 : memref<10240xi32, #tpu.memory_space<hbm>>) dst(%arg7 : memref<10240xi32, #tpu.memory_space<vmem>>)
    %dma_wait3A_232 = arith.constant 1 : i32
    %dma_wait3A_233 = tpu.memref_slice %arg4[%add3A_180] : memref<3276800xi32, #tpu.memory_space<hbm>> -> memref<10240xi32, #tpu.memory_space<hbm>>
    %dma_wait3A_234 = tpu.memref_slice %arg14[%dma_wait3A_232] : memref<3x!tpu.dma_semaphore, #tpu.memory_space<semaphore_mem>> -> memref<1x!tpu.dma_semaphore, #tpu.memory_space<semaphore_mem>>
    %dma_wait3A_235 = tpu.memref_squeeze %dma_wait3A_234 : memref<1x!tpu.dma_semaphore, #tpu.memory_space<semaphore_mem>> -> memref<!tpu.dma_semaphore, #tpu.memory_space<semaphore_mem>>
    %dma_wait3A_236 = tpu.memref_slice %arg4[%add3A_180] : memref<3276800xi32, #tpu.memory_space<hbm>> -> memref<10240xi32, #tpu.memory_space<hbm>>
    tpu.wait_dma2 semaphore(%dma_wait3A_235 : memref<!tpu.dma_semaphore, #tpu.memory_space<semaphore_mem>>) src(%arg10 : memref<10240xi32, #tpu.memory_space<vmem>>) dst(%dma_wait3A_236 : memref<10240xi32, #tpu.memory_space<hbm>>)
    %dma_start3A_237 = arith.constant 1 : i32
    %dma_start3A_238 = arith.constant 0 : i32
    %dma_start3A_239 = tpu.memref_slice %arg5[%dma_start3A_238] : memref<1000000xi32, #tpu.memory_space<vmem_shared>> -> memref<1000000xi32, #tpu.memory_space<vmem_shared>>
    %dma_start3A_240 = tpu.memref_slice %arg13[%dma_start3A_237] : memref<3x!tpu.dma_semaphore, #tpu.memory_space<semaphore_mem>> -> memref<1x!tpu.dma_semaphore, #tpu.memory_space<semaphore_mem>>
    %dma_start3A_241 = tpu.memref_squeeze %dma_start3A_240 : memref<1x!tpu.dma_semaphore, #tpu.memory_space<semaphore_mem>> -> memref<!tpu.dma_semaphore, #tpu.memory_space<semaphore_mem>>
    tpu.enqueue_indirect_dma source(%dma_start3A_239 : memref<1000000xi32, #tpu.memory_space<vmem_shared>>) target(%arg10 : memref<10240xi32, #tpu.memory_space<vmem>>) offsets(%arg7 : memref<10240xi32, #tpu.memory_space<vmem>>) semaphore(%dma_start3A_241 : memref<!tpu.dma_semaphore, #tpu.memory_space<semaphore_mem>>)
    %dma_wait3A_242 = arith.constant 0 : i32
    %dma_wait3A_243 = arith.constant 0 : i32
    %dma_wait3A_244 = tpu.memref_slice %arg5[%dma_wait3A_243] : memref<1000000xi32, #tpu.memory_space<vmem_shared>> -> memref<1000000xi32, #tpu.memory_space<vmem_shared>>
    %dma_wait3A_245 = tpu.memref_slice %arg13[%dma_wait3A_242] : memref<3x!tpu.dma_semaphore, #tpu.memory_space<semaphore_mem>> -> memref<1x!tpu.dma_semaphore, #tpu.memory_space<semaphore_mem>>
    %dma_wait3A_246 = tpu.memref_squeeze %dma_wait3A_245 : memref<1x!tpu.dma_semaphore, #tpu.memory_space<semaphore_mem>> -> memref<!tpu.dma_semaphore, #tpu.memory_space<semaphore_mem>>
    tpu.wait_indirect_dma semaphore(%dma_wait3A_246 : memref<!tpu.dma_semaphore, #tpu.memory_space<semaphore_mem>>) src(%dma_wait3A_244 : memref<1000000xi32, #tpu.memory_space<vmem_shared>>) dst(%arg9 : memref<10240xi32, #tpu.memory_space<vmem>>)
    %add3A_247 = arith.constant 61440 : i32
    %add3A_248 = arith.addi %mul3A_2, %add3A_247 : i32
    %dma_start3A_249 = arith.constant 0 : i32
    %dma_start3A_250 = tpu.memref_slice %arg4[%add3A_248] : memref<3276800xi32, #tpu.memory_space<hbm>> -> memref<10240xi32, #tpu.memory_space<hbm>>
    %dma_start3A_251 = tpu.memref_slice %arg14[%dma_start3A_249] : memref<3x!tpu.dma_semaphore, #tpu.memory_space<semaphore_mem>> -> memref<1x!tpu.dma_semaphore, #tpu.memory_space<semaphore_mem>>
    %dma_start3A_252 = tpu.memref_squeeze %dma_start3A_251 : memref<1x!tpu.dma_semaphore, #tpu.memory_space<semaphore_mem>> -> memref<!tpu.dma_semaphore, #tpu.memory_space<semaphore_mem>>
    %dma_start3A_253 = tpu.memref_slice %arg4[%add3A_248] : memref<3276800xi32, #tpu.memory_space<hbm>> -> memref<10240xi32, #tpu.memory_space<hbm>>
    tpu.enqueue_dma source(%arg9 : memref<10240xi32, #tpu.memory_space<vmem>>) target(%dma_start3A_253 : memref<10240xi32, #tpu.memory_space<hbm>>) target_semaphore(%dma_start3A_252 : memref<!tpu.dma_semaphore, #tpu.memory_space<semaphore_mem>>)
    %add3A_254 = arith.constant 92160 : i32
    %add3A_255 = arith.addi %mul3A_2, %add3A_254 : i32
    %dma_start3A_256 = arith.constant 0 : i32
    %dma_start3A_257 = tpu.memref_slice %arg2[%add3A_255] : memref<3276800xi32, #tpu.memory_space<hbm>> -> memref<10240xi32, #tpu.memory_space<hbm>>
    %dma_start3A_258 = tpu.memref_slice %arg12[%dma_start3A_256] : memref<3x!tpu.dma_semaphore, #tpu.memory_space<semaphore_mem>> -> memref<1x!tpu.dma_semaphore, #tpu.memory_space<semaphore_mem>>
    %dma_start3A_259 = tpu.memref_squeeze %dma_start3A_258 : memref<1x!tpu.dma_semaphore, #tpu.memory_space<semaphore_mem>> -> memref<!tpu.dma_semaphore, #tpu.memory_space<semaphore_mem>>
    %dma_start3A_260 = tpu.memref_slice %arg2[%add3A_255] : memref<3276800xi32, #tpu.memory_space<hbm>> -> memref<10240xi32, #tpu.memory_space<hbm>>
    tpu.enqueue_dma source(%dma_start3A_260 : memref<10240xi32, #tpu.memory_space<hbm>>) target(%arg6 : memref<10240xi32, #tpu.memory_space<vmem>>) target_semaphore(%dma_start3A_259 : memref<!tpu.dma_semaphore, #tpu.memory_space<semaphore_mem>>)
    %dma_wait3A_261 = arith.constant 2 : i32
    %dma_wait3A_262 = tpu.memref_slice %arg2[%add3A_221] : memref<3276800xi32, #tpu.memory_space<hbm>> -> memref<10240xi32, #tpu.memory_space<hbm>>
    %dma_wait3A_263 = tpu.memref_slice %arg12[%dma_wait3A_261] : memref<3x!tpu.dma_semaphore, #tpu.memory_space<semaphore_mem>> -> memref<1x!tpu.dma_semaphore, #tpu.memory_space<semaphore_mem>>
    %dma_wait3A_264 = tpu.memref_squeeze %dma_wait3A_263 : memref<1x!tpu.dma_semaphore, #tpu.memory_space<semaphore_mem>> -> memref<!tpu.dma_semaphore, #tpu.memory_space<semaphore_mem>>
    %dma_wait3A_265 = tpu.memref_slice %arg2[%add3A_221] : memref<3276800xi32, #tpu.memory_space<hbm>> -> memref<10240xi32, #tpu.memory_space<hbm>>
    tpu.wait_dma2 semaphore(%dma_wait3A_264 : memref<!tpu.dma_semaphore, #tpu.memory_space<semaphore_mem>>) src(%dma_wait3A_265 : memref<10240xi32, #tpu.memory_space<hbm>>) dst(%arg8 : memref<10240xi32, #tpu.memory_space<vmem>>)
    %dma_wait3A_266 = arith.constant 2 : i32
    %dma_wait3A_267 = tpu.memref_slice %arg4[%add3A_214] : memref<3276800xi32, #tpu.memory_space<hbm>> -> memref<10240xi32, #tpu.memory_space<hbm>>
    %dma_wait3A_268 = tpu.memref_slice %arg14[%dma_wait3A_266] : memref<3x!tpu.dma_semaphore, #tpu.memory_space<semaphore_mem>> -> memref<1x!tpu.dma_semaphore, #tpu.memory_space<semaphore_mem>>
    %dma_wait3A_269 = tpu.memref_squeeze %dma_wait3A_268 : memref<1x!tpu.dma_semaphore, #tpu.memory_space<semaphore_mem>> -> memref<!tpu.dma_semaphore, #tpu.memory_space<semaphore_mem>>
    %dma_wait3A_270 = tpu.memref_slice %arg4[%add3A_214] : memref<3276800xi32, #tpu.memory_space<hbm>> -> memref<10240xi32, #tpu.memory_space<hbm>>
    tpu.wait_dma2 semaphore(%dma_wait3A_269 : memref<!tpu.dma_semaphore, #tpu.memory_space<semaphore_mem>>) src(%arg11 : memref<10240xi32, #tpu.memory_space<vmem>>) dst(%dma_wait3A_270 : memref<10240xi32, #tpu.memory_space<hbm>>)
    %dma_start3A_271 = arith.constant 2 : i32
    %dma_start3A_272 = arith.constant 0 : i32
    %dma_start3A_273 = tpu.memref_slice %arg5[%dma_start3A_272] : memref<1000000xi32, #tpu.memory_space<vmem_shared>> -> memref<1000000xi32, #tpu.memory_space<vmem_shared>>
    %dma_start3A_274 = tpu.memref_slice %arg13[%dma_start3A_271] : memref<3x!tpu.dma_semaphore, #tpu.memory_space<semaphore_mem>> -> memref<1x!tpu.dma_semaphore, #tpu.memory_space<semaphore_mem>>
    %dma_start3A_275 = tpu.memref_squeeze %dma_start3A_274 : memref<1x!tpu.dma_semaphore, #tpu.memory_space<semaphore_mem>> -> memref<!tpu.dma_semaphore, #tpu.memory_space<semaphore_mem>>
    tpu.enqueue_indirect_dma source(%dma_start3A_273 : memref<1000000xi32, #tpu.memory_space<vmem_shared>>) target(%arg11 : memref<10240xi32, #tpu.memory_space<vmem>>) offsets(%arg8 : memref<10240xi32, #tpu.memory_space<vmem>>) semaphore(%dma_start3A_275 : memref<!tpu.dma_semaphore, #tpu.memory_space<semaphore_mem>>)
    %dma_wait3A_276 = arith.constant 1 : i32
    %dma_wait3A_277 = arith.constant 0 : i32
    %dma_wait3A_278 = tpu.memref_slice %arg5[%dma_wait3A_277] : memref<1000000xi32, #tpu.memory_space<vmem_shared>> -> memref<1000000xi32, #tpu.memory_space<vmem_shared>>
    %dma_wait3A_279 = tpu.memref_slice %arg13[%dma_wait3A_276] : memref<3x!tpu.dma_semaphore, #tpu.memory_space<semaphore_mem>> -> memref<1x!tpu.dma_semaphore, #tpu.memory_space<semaphore_mem>>
    %dma_wait3A_280 = tpu.memref_squeeze %dma_wait3A_279 : memref<1x!tpu.dma_semaphore, #tpu.memory_space<semaphore_mem>> -> memref<!tpu.dma_semaphore, #tpu.memory_space<semaphore_mem>>
    tpu.wait_indirect_dma semaphore(%dma_wait3A_280 : memref<!tpu.dma_semaphore, #tpu.memory_space<semaphore_mem>>) src(%dma_wait3A_278 : memref<1000000xi32, #tpu.memory_space<vmem_shared>>) dst(%arg10 : memref<10240xi32, #tpu.memory_space<vmem>>)
    %add3A_281 = arith.constant 71680 : i32
    %add3A_282 = arith.addi %mul3A_2, %add3A_281 : i32
    %dma_start3A_283 = arith.constant 1 : i32
    %dma_start3A_284 = tpu.memref_slice %arg4[%add3A_282] : memref<3276800xi32, #tpu.memory_space<hbm>> -> memref<10240xi32, #tpu.memory_space<hbm>>
    %dma_start3A_285 = tpu.memref_slice %arg14[%dma_start3A_283] : memref<3x!tpu.dma_semaphore, #tpu.memory_space<semaphore_mem>> -> memref<1x!tpu.dma_semaphore, #tpu.memory_space<semaphore_mem>>
    %dma_start3A_286 = tpu.memref_squeeze %dma_start3A_285 : memref<1x!tpu.dma_semaphore, #tpu.memory_space<semaphore_mem>> -> memref<!tpu.dma_semaphore, #tpu.memory_space<semaphore_mem>>
    %dma_start3A_287 = tpu.memref_slice %arg4[%add3A_282] : memref<3276800xi32, #tpu.memory_space<hbm>> -> memref<10240xi32, #tpu.memory_space<hbm>>
    tpu.enqueue_dma source(%arg10 : memref<10240xi32, #tpu.memory_space<vmem>>) target(%dma_start3A_287 : memref<10240xi32, #tpu.memory_space<hbm>>) target_semaphore(%dma_start3A_286 : memref<!tpu.dma_semaphore, #tpu.memory_space<semaphore_mem>>)
    %dma_wait3A_288 = arith.constant 0 : i32
    %dma_wait3A_289 = tpu.memref_slice %arg2[%add3A_255] : memref<3276800xi32, #tpu.memory_space<hbm>> -> memref<10240xi32, #tpu.memory_space<hbm>>
    %dma_wait3A_290 = tpu.memref_slice %arg12[%dma_wait3A_288] : memref<3x!tpu.dma_semaphore, #tpu.memory_space<semaphore_mem>> -> memref<1x!tpu.dma_semaphore, #tpu.memory_space<semaphore_mem>>
    %dma_wait3A_291 = tpu.memref_squeeze %dma_wait3A_290 : memref<1x!tpu.dma_semaphore, #tpu.memory_space<semaphore_mem>> -> memref<!tpu.dma_semaphore, #tpu.memory_space<semaphore_mem>>
    %dma_wait3A_292 = tpu.memref_slice %arg2[%add3A_255] : memref<3276800xi32, #tpu.memory_space<hbm>> -> memref<10240xi32, #tpu.memory_space<hbm>>
    tpu.wait_dma2 semaphore(%dma_wait3A_291 : memref<!tpu.dma_semaphore, #tpu.memory_space<semaphore_mem>>) src(%dma_wait3A_292 : memref<10240xi32, #tpu.memory_space<hbm>>) dst(%arg6 : memref<10240xi32, #tpu.memory_space<vmem>>)
    %dma_wait3A_293 = arith.constant 0 : i32
    %dma_wait3A_294 = tpu.memref_slice %arg4[%add3A_248] : memref<3276800xi32, #tpu.memory_space<hbm>> -> memref<10240xi32, #tpu.memory_space<hbm>>
    %dma_wait3A_295 = tpu.memref_slice %arg14[%dma_wait3A_293] : memref<3x!tpu.dma_semaphore, #tpu.memory_space<semaphore_mem>> -> memref<1x!tpu.dma_semaphore, #tpu.memory_space<semaphore_mem>>
    %dma_wait3A_296 = tpu.memref_squeeze %dma_wait3A_295 : memref<1x!tpu.dma_semaphore, #tpu.memory_space<semaphore_mem>> -> memref<!tpu.dma_semaphore, #tpu.memory_space<semaphore_mem>>
    %dma_wait3A_297 = tpu.memref_slice %arg4[%add3A_248] : memref<3276800xi32, #tpu.memory_space<hbm>> -> memref<10240xi32, #tpu.memory_space<hbm>>
    tpu.wait_dma2 semaphore(%dma_wait3A_296 : memref<!tpu.dma_semaphore, #tpu.memory_space<semaphore_mem>>) src(%arg9 : memref<10240xi32, #tpu.memory_space<vmem>>) dst(%dma_wait3A_297 : memref<10240xi32, #tpu.memory_space<hbm>>)
    %dma_start3A_298 = arith.constant 0 : i32
    %dma_start3A_299 = arith.constant 0 : i32
    %dma_start3A_300 = tpu.memref_slice %arg5[%dma_start3A_299] : memref<1000000xi32, #tpu.memory_space<vmem_shared>> -> memref<1000000xi32, #tpu.memory_space<vmem_shared>>
    %dma_start3A_301 = tpu.memref_slice %arg13[%dma_start3A_298] : memref<3x!tpu.dma_semaphore, #tpu.memory_space<semaphore_mem>> -> memref<1x!tpu.dma_semaphore, #tpu.memory_space<semaphore_mem>>
    %dma_start3A_302 = tpu.memref_squeeze %dma_start3A_301 : memref<1x!tpu.dma_semaphore, #tpu.memory_space<semaphore_mem>> -> memref<!tpu.dma_semaphore, #tpu.memory_space<semaphore_mem>>
    tpu.enqueue_indirect_dma source(%dma_start3A_300 : memref<1000000xi32, #tpu.memory_space<vmem_shared>>) target(%arg9 : memref<10240xi32, #tpu.memory_space<vmem>>) offsets(%arg6 : memref<10240xi32, #tpu.memory_space<vmem>>) semaphore(%dma_start3A_302 : memref<!tpu.dma_semaphore, #tpu.memory_space<semaphore_mem>>)
    %dma_wait3A_303 = arith.constant 2 : i32
    %dma_wait3A_304 = arith.constant 0 : i32
    %dma_wait3A_305 = tpu.memref_slice %arg5[%dma_wait3A_304] : memref<1000000xi32, #tpu.memory_space<vmem_shared>> -> memref<1000000xi32, #tpu.memory_space<vmem_shared>>
    %dma_wait3A_306 = tpu.memref_slice %arg13[%dma_wait3A_303] : memref<3x!tpu.dma_semaphore, #tpu.memory_space<semaphore_mem>> -> memref<1x!tpu.dma_semaphore, #tpu.memory_space<semaphore_mem>>
    %dma_wait3A_307 = tpu.memref_squeeze %dma_wait3A_306 : memref<1x!tpu.dma_semaphore, #tpu.memory_space<semaphore_mem>> -> memref<!tpu.dma_semaphore, #tpu.memory_space<semaphore_mem>>
    tpu.wait_indirect_dma semaphore(%dma_wait3A_307 : memref<!tpu.dma_semaphore, #tpu.memory_space<semaphore_mem>>) src(%dma_wait3A_305 : memref<1000000xi32, #tpu.memory_space<vmem_shared>>) dst(%arg11 : memref<10240xi32, #tpu.memory_space<vmem>>)
    %add3A_308 = arith.constant 81920 : i32
    %add3A_309 = arith.addi %mul3A_2, %add3A_308 : i32
    %dma_start3A_310 = arith.constant 2 : i32
    %dma_start3A_311 = tpu.memref_slice %arg4[%add3A_309] : memref<3276800xi32, #tpu.memory_space<hbm>> -> memref<10240xi32, #tpu.memory_space<hbm>>
    %dma_start3A_312 = tpu.memref_slice %arg14[%dma_start3A_310] : memref<3x!tpu.dma_semaphore, #tpu.memory_space<semaphore_mem>> -> memref<1x!tpu.dma_semaphore, #tpu.memory_space<semaphore_mem>>
    %dma_start3A_313 = tpu.memref_squeeze %dma_start3A_312 : memref<1x!tpu.dma_semaphore, #tpu.memory_space<semaphore_mem>> -> memref<!tpu.dma_semaphore, #tpu.memory_space<semaphore_mem>>
    %dma_start3A_314 = tpu.memref_slice %arg4[%add3A_309] : memref<3276800xi32, #tpu.memory_space<hbm>> -> memref<10240xi32, #tpu.memory_space<hbm>>
    tpu.enqueue_dma source(%arg11 : memref<10240xi32, #tpu.memory_space<vmem>>) target(%dma_start3A_314 : memref<10240xi32, #tpu.memory_space<hbm>>) target_semaphore(%dma_start3A_313 : memref<!tpu.dma_semaphore, #tpu.memory_space<semaphore_mem>>)
    %dma_wait3A_315 = arith.constant 0 : i32
    %dma_wait3A_316 = arith.constant 0 : i32
    %dma_wait3A_317 = tpu.memref_slice %arg5[%dma_wait3A_316] : memref<1000000xi32, #tpu.memory_space<vmem_shared>> -> memref<1000000xi32, #tpu.memory_space<vmem_shared>>
    %dma_wait3A_318 = tpu.memref_slice %arg13[%dma_wait3A_315] : memref<3x!tpu.dma_semaphore, #tpu.memory_space<semaphore_mem>> -> memref<1x!tpu.dma_semaphore, #tpu.memory_space<semaphore_mem>>
    %dma_wait3A_319 = tpu.memref_squeeze %dma_wait3A_318 : memref<1x!tpu.dma_semaphore, #tpu.memory_space<semaphore_mem>> -> memref<!tpu.dma_semaphore, #tpu.memory_space<semaphore_mem>>
    tpu.wait_indirect_dma semaphore(%dma_wait3A_319 : memref<!tpu.dma_semaphore, #tpu.memory_space<semaphore_mem>>) src(%dma_wait3A_317 : memref<1000000xi32, #tpu.memory_space<vmem_shared>>) dst(%arg9 : memref<10240xi32, #tpu.memory_space<vmem>>)
    %add3A_320 = arith.constant 92160 : i32
    %add3A_321 = arith.addi %mul3A_2, %add3A_320 : i32
    %dma_start3A_322 = arith.constant 0 : i32
    %dma_start3A_323 = tpu.memref_slice %arg4[%add3A_321] : memref<3276800xi32, #tpu.memory_space<hbm>> -> memref<10240xi32, #tpu.memory_space<hbm>>
    %dma_start3A_324 = tpu.memref_slice %arg14[%dma_start3A_322] : memref<3x!tpu.dma_semaphore, #tpu.memory_space<semaphore_mem>> -> memref<1x!tpu.dma_semaphore, #tpu.memory_space<semaphore_mem>>
    %dma_start3A_325 = tpu.memref_squeeze %dma_start3A_324 : memref<1x!tpu.dma_semaphore, #tpu.memory_space<semaphore_mem>> -> memref<!tpu.dma_semaphore, #tpu.memory_space<semaphore_mem>>
    %dma_start3A_326 = tpu.memref_slice %arg4[%add3A_321] : memref<3276800xi32, #tpu.memory_space<hbm>> -> memref<10240xi32, #tpu.memory_space<hbm>>
    tpu.enqueue_dma source(%arg9 : memref<10240xi32, #tpu.memory_space<vmem>>) target(%dma_start3A_326 : memref<10240xi32, #tpu.memory_space<hbm>>) target_semaphore(%dma_start3A_325 : memref<!tpu.dma_semaphore, #tpu.memory_space<semaphore_mem>>)
    %dma_wait3A_327 = arith.constant 1 : i32
    %dma_wait3A_328 = tpu.memref_slice %arg4[%add3A_282] : memref<3276800xi32, #tpu.memory_space<hbm>> -> memref<10240xi32, #tpu.memory_space<hbm>>
    %dma_wait3A_329 = tpu.memref_slice %arg14[%dma_wait3A_327] : memref<3x!tpu.dma_semaphore, #tpu.memory_space<semaphore_mem>> -> memref<1x!tpu.dma_semaphore, #tpu.memory_space<semaphore_mem>>
    %dma_wait3A_330 = tpu.memref_squeeze %dma_wait3A_329 : memref<1x!tpu.dma_semaphore, #tpu.memory_space<semaphore_mem>> -> memref<!tpu.dma_semaphore, #tpu.memory_space<semaphore_mem>>
    %dma_wait3A_331 = tpu.memref_slice %arg4[%add3A_282] : memref<3276800xi32, #tpu.memory_space<hbm>> -> memref<10240xi32, #tpu.memory_space<hbm>>
    tpu.wait_dma2 semaphore(%dma_wait3A_330 : memref<!tpu.dma_semaphore, #tpu.memory_space<semaphore_mem>>) src(%arg10 : memref<10240xi32, #tpu.memory_space<vmem>>) dst(%dma_wait3A_331 : memref<10240xi32, #tpu.memory_space<hbm>>)
    %dma_wait3A_332 = arith.constant 2 : i32
    %dma_wait3A_333 = tpu.memref_slice %arg4[%add3A_309] : memref<3276800xi32, #tpu.memory_space<hbm>> -> memref<10240xi32, #tpu.memory_space<hbm>>
    %dma_wait3A_334 = tpu.memref_slice %arg14[%dma_wait3A_332] : memref<3x!tpu.dma_semaphore, #tpu.memory_space<semaphore_mem>> -> memref<1x!tpu.dma_semaphore, #tpu.memory_space<semaphore_mem>>
    %dma_wait3A_335 = tpu.memref_squeeze %dma_wait3A_334 : memref<1x!tpu.dma_semaphore, #tpu.memory_space<semaphore_mem>> -> memref<!tpu.dma_semaphore, #tpu.memory_space<semaphore_mem>>
    %dma_wait3A_336 = tpu.memref_slice %arg4[%add3A_309] : memref<3276800xi32, #tpu.memory_space<hbm>> -> memref<10240xi32, #tpu.memory_space<hbm>>
    tpu.wait_dma2 semaphore(%dma_wait3A_335 : memref<!tpu.dma_semaphore, #tpu.memory_space<semaphore_mem>>) src(%arg11 : memref<10240xi32, #tpu.memory_space<vmem>>) dst(%dma_wait3A_336 : memref<10240xi32, #tpu.memory_space<hbm>>)
    %dma_wait3A_337 = arith.constant 0 : i32
    %dma_wait3A_338 = tpu.memref_slice %arg4[%add3A_321] : memref<3276800xi32, #tpu.memory_space<hbm>> -> memref<10240xi32, #tpu.memory_space<hbm>>
    %dma_wait3A_339 = tpu.memref_slice %arg14[%dma_wait3A_337] : memref<3x!tpu.dma_semaphore, #tpu.memory_space<semaphore_mem>> -> memref<1x!tpu.dma_semaphore, #tpu.memory_space<semaphore_mem>>
    %dma_wait3A_340 = tpu.memref_squeeze %dma_wait3A_339 : memref<1x!tpu.dma_semaphore, #tpu.memory_space<semaphore_mem>> -> memref<!tpu.dma_semaphore, #tpu.memory_space<semaphore_mem>>
    %dma_wait3A_341 = tpu.memref_slice %arg4[%add3A_321] : memref<3276800xi32, #tpu.memory_space<hbm>> -> memref<10240xi32, #tpu.memory_space<hbm>>
    tpu.wait_dma2 semaphore(%dma_wait3A_340 : memref<!tpu.dma_semaphore, #tpu.memory_space<semaphore_mem>>) src(%arg9 : memref<10240xi32, #tpu.memory_space<vmem>>) dst(%dma_wait3A_341 : memref<10240xi32, #tpu.memory_space<hbm>>)
    return
  }
}

</mosaic_0001>

<sc_bundles>
// kernel: kernel.3.cloned.1.call-start
scs
__scs_entry_jumppad:
0x0: {  	(pc) =	sbr.rel $0x88, $3  }
0x1: {  	(tag) =	ssettag $0x0;
	lr =	simm.s32 $0x1  }
0x2: {  	[smem:$0x3F9F] =	sst lr;
	_ =	strace $0xD0000000  }
0x3: {  	_ = 	snop  }
0x4: {  	_ = 	snop  }
0x5: {  	_ = 	snop  }
0x6: {  	_ = 	snop  }
0x7: {  	_ = 	snop  }
__scs_overlays_trampoline_lowered:
0x8: {  	[smem:$0x3FAE] =	sst s0  }
0x9: {  	[smem:$0x3FAF] =	sst s1  }
0xa: {  	[smem:$0x3FB0] =	sst s2  }
0xb: {  	[smem:$0x3FB1] =	sst s3  }
0xc: {  	[smem:$0x3FB2] =	sst s4  }
0xd: {  	[smem:$0x3FB3] =	sst s5  }
0xe: {  	[smem:$0x3FB4] =	sst s6  }
0xf: {  	[smem:$0x3FB5] =	sst s7  }
0x10: {  	[smem:$0x3FB6] =	sst s8  }
0x11: {  	[smem:$0x3FB7] =	sst s9;
	s0 =	simm.s32 @!p0 $0x0  }
0x12: {  	s1 =	sld [smem:$0x3F9D];
	s0 =	simm.s32 @p0 $0x1  }
0x13: {  	[smem:$0x3FB8] =	sst s0;
	s0 =	simm.s32 @!p1 $0x0  }
0x14: {  	s2 =	sld [smem:$0x3F9C];
	s0 =	simm.s32 @p1 $0x1  }
0x15: {  	[smem:$0x3FB9] =	sst s0;
	s0 =	simm.s32 @!p2 $0x0  }
0x16: {  	s3 =	sld [smem:$0x3FDB];
	s0 =	simm.s32 @p2 $0x1  }
0x17: {  	s4 =	simm.s32 $0x1BF5;
	[smem:$0x3FBB] =	sst s0  }
0x18: {  	s0 =	sld [smem:$0x3F9E];
	_ =	swait.ge [sflag:s4], $0x0  }
0x19: {  	s7 =	sld [smem:$0x3F9F]  }
0x1a: {  	s8 =	sadd.s32 $0xFFFFE003, lr  }
0x1b: {  	s9 =	sadd.s32 $0xFFFFFEF7, lr;
	s5 =	simm.s32 $0xFFFFFFFF;
	p2 =	slt.u32 s8, $0xFFFFF086  }
0x1c: {  	p1 =	slt.u32 s9, $0xF7A;
	s5 =	simm.s32 @!p2 $0x0  }
0x1d: {  	s5 =	simm.s32 @p1 $0x1;
	p0 =	seq.s32 s7, s2  }
0x1e: {  	s7 =	smul.u32 @!p0 $0xF7A, s2;
	p2 =	seq.s32 @!p0 s5, $0x0  }
0x1f: {  	s9 =	smul.u32 $0xF7A, s1;
	s8 =	simm.s32 @!p0 $0x1BF5;
	p2 =	por !p2, p0  }
0x20: {  	[sflag:s8] =	ssyncset.s32 @!p0 $0xFFFFF086;
	s6 =	sadd.s32 @!p0 s3, s7;
	s7 =	simm.s32 @!p0 $0x108  }
0x21: {  	s3 =	sadd.s32 s3, s9;
	s6 =	sadd.s32 @!p0 $0x88, s6;
	s7 =	simm.s32 @p2 $0x1082  }
0x22: {  	[simem:s7], [sflag:s8] =	dma.local @!p0 [hbm:s6], $0xF7A  }
0x23: {  	s9 =	sor.u32 $0xD0000000, s2;
	s6 =	simm.s32 $0x108;
	_ =	swait.ge @!p0 [sflag:s8], $0x0  }
0x24: {  	s3 =	sadd.s32 $0x88, s3;
	s6 =	simm.s32 @!p1 $0x1082;
	[sflag:s4] =	ssyncset.s32 $0xFFFFF086  }
0x25: {  	[simem:s6], [sflag:s4] =	dma.local [hbm:s3], $0xF7A  }
0x26: {  	[smem:$0x3F9F] =	sst s1;
	(tag) =	ssettag s2;
	_ =	strace s9  }
0x27: {  	s1 =	sld [smem:$0x3FAF]  }
0x28: {  	s2 =	sld [smem:$0x3FB0]  }
0x29: {  	s4 =	sld [smem:$0x3FB2]  }
0x2a: {  	p0 =	seq.s32 s5, $0x0;
	s5 =	sld [smem:$0x3FB3]  }
0x2b: {  	s6 =	sld [smem:$0x3FB4]  }
0x2c: {  	s7 =	sld [smem:$0x3FB5]  }
0x2d: {  	s3 =	simm.s32 $0x108;
	s8 =	sld [smem:$0x3FB6]  }
0x2e: {  	s3 =	simm.s32 @!p0 $0x1082;
	s9 =	sld [smem:$0x3FB7]  }
0x2f: {  	lr =	sadd.s32 s0, s3;
	s0 =	sld [smem:$0x3FAE]  }
0x30: {  	s3 =	sld [smem:$0x3FB1]  }
0x31: {  	[smem:$0x3FBA] =	sst s10  }
0x32: {  	s10 =	sld [smem:$0x3FB8];
	_ =	sdelay $0x3  }
0x33: {  	p0 =	seq.s32 s10, $0x1;
	s10 =	sld [smem:$0x3FBA];
	_ =	sdelay $0x3  }
0x34: {  	[smem:$0x3FBA] =	sst s10  }
0x35: {  	s10 =	sld [smem:$0x3FB9];
	_ =	sdelay $0x3  }
0x36: {  	p1 =	seq.s32 s10, $0x1;
	s10 =	sld [smem:$0x3FBA];
	_ =	sdelay $0x3  }
0x37: {  	[smem:$0x3FBA] =	sst s10  }
0x38: {  	s10 =	sld [smem:$0x3FBB]  }
0x39: {  	_ = 	snop;
	(pc) =	sbr.ind lr, $3  }
0x3a: {  	_ = 	snop  }
0x3b: {  	_ = 	snop  }
0x3c: {  	p2 =	seq.s32 s10, $0x1;
	s10 =	sld [smem:$0x3FBA]  }
0x3d: {  	_ =	shalt  }
0x3e: {  	_ =	shalt  }
0x3f: {  	_ =	shalt  }
0x40: {  	_ =	shalt  }
0x41: {  	_ =	shalt  }
0x42: {  	_ =	shalt  }
0x43: {  	_ =	shalt  }
0x44: {  	_ =	shalt  }
0x45: {  	_ =	shalt  }
0x46: {  	_ =	shalt  }
0x47: {  	_ =	shalt  }
0x48: {  	_ =	shalt  }
0x49: {  	_ =	shalt  }
0x4a: {  	_ =	shalt  }
0x4b: {  	_ =	shalt  }
0x4c: {  	_ =	shalt  }
0x4d: {  	_ =	shalt  }
0x4e: {  	_ =	shalt  }
0x4f: {  	_ =	shalt  }
0x50: {  	_ =	shalt  }
0x51: {  	_ =	shalt  }
0x52: {  	_ =	shalt  }
0x53: {  	_ =	shalt  }
0x54: {  	_ =	shalt  }
0x55: {  	_ =	shalt  }
0x56: {  	_ =	shalt  }
0x57: {  	_ =	shalt  }
0x58: {  	_ =	shalt  }
0x59: {  	_ =	shalt  }
0x5a: {  	_ =	shalt  }
0x5b: {  	_ =	shalt  }
0x5c: {  	_ =	shalt  }
0x5d: {  	_ =	shalt  }
0x5e: {  	_ =	shalt  }
0x5f: {  	_ =	shalt  }
0x60: {  	_ =	shalt  }
0x61: {  	_ =	shalt  }
0x62: {  	_ =	shalt  }
0x63: {  	_ =	shalt  }
0x64: {  	_ =	shalt  }
0x65: {  	_ =	shalt  }
0x66: {  	_ =	shalt  }
0x67: {  	_ =	shalt  }
0x68: {  	_ =	shalt  }
0x69: {  	_ =	shalt  }
0x6a: {  	_ =	shalt  }
0x6b: {  	_ =	shalt  }
0x6c: {  	_ =	shalt  }
0x6d: {  	_ =	shalt  }
0x6e: {  	_ =	shalt  }
0x6f: {  	_ =	shalt  }
0x70: {  	_ =	shalt  }
0x71: {  	_ =	shalt  }
0x72: {  	_ =	shalt  }
0x73: {  	_ =	shalt  }
0x74: {  	_ =	shalt  }
0x75: {  	_ =	shalt  }
0x76: {  	_ =	shalt  }
0x77: {  	_ =	shalt  }
0x78: {  	_ =	shalt  }
0x79: {  	_ =	shalt  }
0x7a: {  	_ =	shalt  }
0x7b: {  	_ =	shalt  }
0x7c: {  	_ =	shalt  }
0x7d: {  	_ =	shalt  }
0x7e: {  	_ =	shalt  }
0x7f: {  	_ =	shalt  }
0x80: {  	_ =	shalt  }
0x81: {  	_ =	shalt  }
0x82: {  	_ =	shalt  }
0x83: {  	_ =	shalt  }
0x84: {  	_ =	shalt  }
0x85: {  	_ =	shalt  }
0x86: {  	_ =	shalt  }
0x87: {  	_ =	shalt  }
.Lfunc_end0:
.L_simem_size_0:
called_computation_lowered:
.L_overlay_start_0:
0x88: {  	s2 =	sld [smem:$0x3FD9]  }
0x89: {  	s3 =	sld [smem:$0x3FFE];
	_ =	sdelay $0x1  }
0x8a: {  	s1 =	srdreg.scid  }
0x8b: {  	s0 =	sand.u32 $0x1, s1  }
0x8c: {  	s23 =	sshll.u32 s0, $0xA;
	s2 =	sadd.s32 s3, s2  }
0x8d: {  	s2 =	sadd.s32 s2, s23  }
0x8e: {  	[smem:$0x3FC6] =	sst s2  }
0x8f: {  	_ = 	snop  }
0x90: {  	s24 =	sld [smem:$0x3FC8]  }
0x91: {  	s4 =	sld [smem:$0x3FD0];
	(tm) =	ssettm $0x1  }
0x92: {  	s25 =	sld [smem:$0x3FFB];
	_ =	sdelay $0x3  }
0x93: {  	_ =	strace s25  }
0x94: {  	s2 =	sld [smem:$0x3FFC];
	_ =	sdelay $0x3  }
0x95: {  	_ =	strace s2  }
0x96: {  	s2 =	sld [smem:$0x3FFD];
	_ =	sdelay $0x3  }
0x97: {  	_ =	strace s2  }
0x98: {  	_ =	strace $0x8FFFFFFF  }
0x99: {  	s26 =	sld [smem:$0x3FDB];
	_ =	sdelay $0x1  }
0x9a: {  	s5 =	simm.s32 $_scs_section_size  }
0x9b: {  	s6 =	simm.s32 $_size__tile_overlayer_lowered;
	s7 =	simm.s32 $_tile_overlayer_lowered  }
0x9c: {  	s8 =	simm.s32 $0x1BFF;
	s28 =	sshll.u32 s7, $0x1;
	s5 =	sadd.s32 s5, s26  }
0x9d: {  	s6 =	sshll.u32 s6, $0x1;
	s2 =	simm.s32 $0x0;
	s7 =	sadd.s32 s28, s5  }
0x9e: {  	[timem:s2], [sflag:s8] =	dma.local [hbm:s7], s6  }
0x9f: {  	_ =	swait.ge [sflag:s8], s6  }
0xa0: {  	s6 =	ssub.s32 $0x0, s6;
	[sflag:s8] =	ssyncset.done $0x0  }
0xa1: {  	[sflag:s8] =	ssyncadd.s32 s6;
	_ =	sdelay $0x1  }
0xa2: {  	s29 =	simm.s32 $0x1B8B  }
0xa3: {  	_ =	swait.ge [sflag:s29], $0x1  }
0xa4: {  	[sflag:s29] =	ssyncset.done $0x0  }
0xa5: {  	s31 =	simm.s32 $0x1B8E;
	s30 =	sld [smem:$0x3FFE];
	[sflag:s29] =	ssyncadd.s32 $0xFFFFFFFF  }
0xa6: {  	s8 =	simm.s32 $execute0_lowered;
	[smem:$0x3FD2] =	sst s31  }
0xa7: {  	s7 =	sshll.u32 s8, $0x1;
	_ =	strace $0x80000046;
	[dreg:$0x1] =	wrdreg $0xFFFFFFFF  }
0xa8: {  	s9 =	simm.s32 $_size_execute0_lowered;
	s5 =	sadd.s32 s5, s7;
	[dreg:$0x0] =	wrdreg $0x0  }
0xa9: {  	s7 =	sshll.u32 s9, $0x1;
	[dreg:$0x2] =	wrdreg s5  }
0xaa: {  	[dreg:$0x3] =	wrdreg s7  }
0xab: {  	[dreg:$0x4] =	wrdreg $0xC0  }
0xac: {  	_ =	task [dreg:s2], $0x5FFFF  }
0xad: {  	[dreg:$0x1] =	wrdreg $0xFFFFFFFF  }
0xae: {  	[dreg:$0x0] =	wrdreg $0x60  }
0xaf: {  	[dreg:$0x2] =	wrdreg s4  }
0xb0: {  	[dreg:$0x3] =	wrdreg s30  }
0xb1: {  	[dreg:$0x4] =	wrdreg $0x0  }
0xb2: {  	[dreg:$0x5] =	wrdreg $0x9  }
0xb3: {  	s10 =	simm.s32 $0xA;
	_ =	task.clear_ibuf [dreg:s2], $0x6FFFF  }
0xb4: {  	[spmem:s2], [sflag:s10] =	dma.local [hbm:s24], $0x1E850  }
0xb5: {  	_ =	swait.ge [sflag:s10], $0x1E850  }
0xb6: {  	[sflag:s10] =	ssyncset.done $0x0  }
0xb7: {  	[sflag:s10] =	ssyncadd.s32 $0xFFFE17B0  }
0xb8: {  	s11 =	sld [smem:$0x0];
	_ =	sdelay $0x2  }
0xb9: {  	s12 =	sshrl.u32 s1, $0x2  }
0xba: {  	s13 =	sand.u32 $0x3, s1;
	s3 =	sadd.s32 s12, s11  }
0xbb: {  	s5 =	sshll.u32 s13, $0xE;
	s3 =	sshll.u32 s3, $0x11  }
0xbc: {  	s3 =	sor.u32 s3, s5  }
0xbd: {  	s5 =	sor.u32 $0x11C0A, s3  }
0xbe: {  	s14 =	sor.u32 $0x11C4A, s3;
	[sflag:s5] =	ssyncadd.remote.s32 $0x1  }
0xbf: {  	s15 =	sor.u32 $0x11C8A, s3;
	[sflag:s14] =	ssyncadd.remote.s32 $0x1  }
0xc0: {  	s16 =	sor.u32 $0x11CCA, s3;
	[sflag:s15] =	ssyncadd.remote.s32 $0x1  }
0xc1: {  	s17 =	sor.u32 $0x11D0A, s3;
	[sflag:s16] =	ssyncadd.remote.s32 $0x1  }
0xc2: {  	s18 =	sor.u32 $0x11D4A, s3;
	[sflag:s17] =	ssyncadd.remote.s32 $0x1  }
0xc3: {  	s19 =	sor.u32 $0x11D8A, s3;
	[sflag:s18] =	ssyncadd.remote.s32 $0x1  }
0xc4: {  	s20 =	sor.u32 $0x11DCA, s3;
	[sflag:s19] =	ssyncadd.remote.s32 $0x1  }
0xc5: {  	s21 =	sor.u32 $0x11E0A, s3;
	[sflag:s20] =	ssyncadd.remote.s32 $0x1  }
0xc6: {  	s22 =	sor.u32 $0x11E4A, s3;
	[sflag:s21] =	ssyncadd.remote.s32 $0x1  }
0xc7: {  	s23 =	sor.u32 $0x11E8A, s3;
	[sflag:s22] =	ssyncadd.remote.s32 $0x1  }
0xc8: {  	s24 =	sor.u32 $0x11ECA, s3;
	[sflag:s23] =	ssyncadd.remote.s32 $0x1  }
0xc9: {  	s25 =	sor.u32 $0x11F0A, s3;
	[sflag:s24] =	ssyncadd.remote.s32 $0x1  }
0xca: {  	s26 =	sor.u32 $0x11F4A, s3;
	[sflag:s25] =	ssyncadd.remote.s32 $0x1  }
0xcb: {  	s28 =	sor.u32 $0x11F8A, s3;
	[sflag:s26] =	ssyncadd.remote.s32 $0x1  }
0xcc: {  	s3 =	sor.u32 $0x11FCA, s3;
	[sflag:s28] =	ssyncadd.remote.s32 $0x1  }
0xcd: {  	[sflag:s3] =	ssyncadd.remote.s32 $0x1  }
0xce: {  	_ =	strace $0x90000046  }
0xcf: {  	s29 =	simm.s32 $0x9;
	_ =	strace $0x80000048  }
0xd0: {  	_ =	swait.ge [sflag:s29], $0x1  }
0xd1: {  	[sflag:s29] =	ssyncadd.s32 $0xFFFFFFFF  }
0xd2: {  	_ =	strace $0x90000048  }
0xd3: {  	_ =	sfence  }
0xd4: {  	s30 =	sld [smem:$0x0];
	_ =	sdelay $0x2  }
0xd5: {  	s1 =	sshll.u32 s1, $0xD  }
0xd6: {  	s1 =	sand.u32 $0x4000, s1;
	s3 =	sadd.s32 s12, s30  }
0xd7: {  	s0 =	sor.u32 s1, s0;
	s31 =	sshll.u32 s3, $0x11  }
0xd8: {  	s0 =	sor.u32 s31, s0  }
0xd9: {  	s0 =	sadd.s32 $0x8F2B, s0  }
0xda: {  	[sflag:s0] =	ssyncadd.remote.s32 $0x1  }
0xdb: {  	_ =	sfence.sel $0xFFFF  }
0xdc: {  	[dreg:$0x0] =	wrdreg $0xFFFFFFFF;
	(pc) =	sbr.abs _section_cstart, $3  }
0xdd: {  	[dreg:$0x1] =	wrdreg $0xFFFFFFFF  }
0xde: {  	_ =	task.clear_ibuf [dreg:s2], $0x2FFFF;
	_ =	strace $0x9FFFFFFF  }
0xdf: {  	(tm) =	ssettm $0x7FFFFFFF  }
tec
execute0_lowered:
.L_overlay_start_1:
0x0: {  	(tag) =	ssettag $0x1  }
0x1: {  	s0 =	srdreg.scid;
	s2 =	stileid.u32  }
0x2: {  	s1 =	rddreg [dreg:$0x0];
	s0 =	sand.u32 $0x1, s0;
	s2 =	sshll.u32 s2, $0x1  }
0x3: {  	s4 =	rddreg [dreg:$0x1];
	s2 =	sor.u32 s0, s2  }
0x4: {  	s3 =	rddreg [dreg:$0x2];
	s31 =	simm.s32 $0xA;
	s5 =	smul.u32 $0x19000, s2  }
0x5: {  	s29 =	simm.s32 $0x2;
	p0 =	por $0x0, $0x0;
	s2 =	simm.s32 $0x0  }
0x6: {  	s4 =	sadd.s32 $0x400, s4;
	[smem:$0x7FF] =	sst s2;
	s5 =	sshrl.u32 s5, $0x3  }
0x7: {  	s0 =	ssub.s32 $0x2, s0;
	_ =	strace $0x80000047;
	s6 =	sadd.s32 s1, s5  }
0x8: {  	s7 =	sadd.s32 $0x500, s5;
	s8 =	sadd.s32 $0xA00, s5;
	s11 =	sadd.s32 s4, s5  }
0x9: {  	s14 =	sadd.s32 $0x1400, s5;
	s17 =	sadd.s32 $0x1900, s5;
	s20 =	sadd.s32 $0x1E00, s5  }
0xa: {  	s23 =	sadd.s32 $0x2300, s5;
	s24 =	sadd.s32 $0x2800, s5;
	s25 =	sadd.s32 $0x2D00, s5  }
0xb: {  	[dreg:$0x4] =	wrdreg s6;
	s9 =	sadd.s32 s1, s7;
	s10 =	sadd.s32 s1, s8  }
0xc: {  	[dreg:$0x7] =	wrdreg s11;
	s13 =	sadd.s32 s4, s7;
	s15 =	sadd.s32 s1, s14  }
0xd: {  	s16 =	sadd.s32 s4, s8;
	s18 =	sadd.s32 s1, s17;
	s30 =	sadd.s32 s1, s20  }
0xe: {  	s26 =	sadd.s32 s4, s14;
	s28 =	sadd.s32 s1, s23;
	[dreg:$0x5] =	wrdreg s9  }
0xf: {  	s21 =	sadd.s32 s4, s17;
	s22 =	sadd.s32 s1, s24;
	[dreg:$0x6] =	wrdreg s10  }
0x10: {  	s17 =	sadd.s32 s1, s25;
	s8 =	simm.s32 $0xF428;
	[dreg:$0x9] =	wrdreg s13  }
0x11: {  	s14 =	simm.s32 $0x1;
	s11 =	simm.s32 $0x2800;
	[dreg:$0xa] =	wrdreg s15  }
0x12: {  	s6 =	simm.s32 $0x16C28;
	s7 =	simm.s32 $0x7;
	[dreg:$0xb] =	wrdreg s16  }
0x13: {  	s9 =	sadd.s32 $0xF00, s5;
	s10 =	sshrl.u32 s0, $0x1;
	[dreg:$0xc] =	wrdreg s18  }
0x14: {  	s16 =	sadd.s32 s4, s20;
	s5 =	sadd.s32 s4, s24;
	s0 =	ssub.s32 s0, s10  }
0x15: {  	s24 =	simm.s32 $0x11C28;
	s18 =	simm.s32 $0x14428;
	s0 =	smax.u32 s0, $0x1  }
0x16: {  	s20 =	simm.s32 $0x19428;
	s15 =	simm.s32 $0x1BC28;
	p1 =	sne.s32 s0, $0x1  }
.Ltmp0:
0x17: {  	s13 =	simm.s32 $0x8;
	s12 =	sadd.s32 s1, s9;
	(pc) =	sbr.rel @!p1 .LBB2_5-.Ltmp0, $4  }
0x18: {  	s19 =	sadd.s32 s4, s9;
	s10 =	sadd.s32 s4, s23;
	s4 =	sadd.s32 s4, s25  }
0x19: {  	s9 =	simm.s32 $0x4;
	s25 =	simm.s32 $0x3;
	[dreg:$0x8] =	wrdreg s12  }
0x1a: {  	s23 =	simm.s32 $0x5;
	[dreg:$0xd] =	wrdreg s19;
	s19 =	simm.s32 $0x6  }
0x1b: {  	s12 =	simm.s32 $0x9;
	s1 =	sadd.s32 $0xFFFFFFFF, s0;
	s0 =	rddreg [dreg:$0x4]  }
0x1c: {  	[dreg:$0xe] =	wrdreg s1  }
0x1d: {  	[tilespmem:s8], [sflag:$0x1] =	stream.linear.gather [hbm4b:s0+s2], $0x2800, $0x38;
	[tilespmem:$0x1E428] =	vst v63  }
0x1e: {  	s1 =	rddreg [dreg:$0x5]  }
0x1f: {  	[tilespmem:s24], [sflag:$0x2] =	stream.linear.gather [hbm4b:s1+s2], $0x2800, $0x38;
	[tilespmem:$0x1E428] =	vst v63  }
0x20: {  	s0 =	rddreg [dreg:$0x6]  }
0x21: {  	[tilespmem:s18], [sflag:$0x3] =	stream.linear.gather [hbm4b:s0+s2], $0x2800, $0x38;
	[tilespmem:$0x1E428] =	vst v63  }
0x22: {  	_ =	swait.ge [sflag:s31], $0x1  }
0x23: {  	[sflag:s31] =	ssyncset.done $0x0  }
0x24: {  	[sflag:s31] =	ssyncadd.s32 $0xFFFFFFFF  }
0x25: {  	_ =	swait.ge [sflag:s14], $0x2800  }
0x26: {  	[sflag:s14] =	ssyncset.done $0x0  }
0x27: {  	[sflag:s14] =	ssyncadd.s32 $0xFFFFD800  }
0x28: {  	[tilespmem:s6], [sflag:$0x4] =	stream.indirect.gather [spmem:s3], $0x1, s8, s11, $0xb8;
	[tilespmem:$0x1E428] =	vst v63  }
0x29: {  	_ =	swait.ge [sflag:s29], $0x2800  }
0x2a: {  	[sflag:s29] =	ssyncset.done $0x0  }
0x2b: {  	[sflag:s29] =	ssyncadd.s32 $0xFFFFD800  }
0x2c: {  	[tilespmem:s20], [sflag:$0x5] =	stream.indirect.gather [spmem:s3], $0x1, s24, s11, $0xb8;
	[tilespmem:$0x1E428] =	vst v63  }
0x2d: {  	_ =	swait.ge [sflag:s9], $0x2800  }
0x2e: {  	[sflag:s9] =	ssyncset.done $0x0  }
0x2f: {  	s1 =	rddreg [dreg:$0x7];
	[sflag:s9] =	ssyncadd.s32 $0xFFFFD800  }
0x30: {  	[hbm4b:s1+s2] =	stream.linear.scatter [tilespmem:s6], [sflag:$0x7], $0x2800, $0x38;
	[tilespmem:$0x1E428] =	vst v63  }
0x31: {  	s31 =	rddreg [dreg:$0x8]  }
0x32: {  	[tilespmem:s8], [sflag:$0x1] =	stream.linear.gather [hbm4b:s31+s2], $0x2800, $0x38;
	[tilespmem:$0x1E428] =	vst v63  }
0x33: {  	_ =	swait.ge [sflag:s25], $0x2800  }
0x34: {  	[sflag:s25] =	ssyncset.done $0x0  }
0x35: {  	[sflag:s25] =	ssyncadd.s32 $0xFFFFD800  }
0x36: {  	[tilespmem:s15], [sflag:$0x6] =	stream.indirect.gather [spmem:s3], $0x1, s18, s11, $0xb8;
	[tilespmem:$0x1E428] =	vst v63  }
0x37: {  	_ =	swait.ge [sflag:s23], $0x2800  }
0x38: {  	[sflag:s23] =	ssyncset.done $0x0  }
0x39: {  	s1 =	rddreg [dreg:$0x9];
	[sflag:s23] =	ssyncadd.s32 $0xFFFFD800  }
0x3a: {  	[hbm4b:s1+s2] =	stream.linear.scatter [tilespmem:s20], [sflag:$0x8], $0x2800, $0x38;
	[tilespmem:$0x1E428] =	vst v63  }
0x3b: {  	s31 =	rddreg [dreg:$0xa]  }
0x3c: {  	[tilespmem:s24], [sflag:$0x2] =	stream.linear.gather [hbm4b:s31+s2], $0x2800, $0x38;
	[tilespmem:$0x1E428] =	vst v63  }
0x3d: {  	_ =	swait.ge [sflag:s14], $0x2800  }
0x3e: {  	[sflag:s14] =	ssyncset.done $0x0  }
0x3f: {  	[sflag:s14] =	ssyncadd.s32 $0xFFFFD800  }
0x40: {  	_ =	swait.ge [sflag:s7], $0x2800  }
0x41: {  	[sflag:s7] =	ssyncset.done $0x0  }
0x42: {  	[sflag:s7] =	ssyncadd.s32 $0xFFFFD800  }
0x43: {  	[tilespmem:s6], [sflag:$0x4] =	stream.indirect.gather [spmem:s3], $0x1, s8, s11, $0xb8;
	[tilespmem:$0x1E428] =	vst v63  }
0x44: {  	_ =	swait.ge [sflag:s19], $0x2800  }
0x45: {  	[sflag:s19] =	ssyncset.done $0x0  }
0x46: {  	s1 =	rddreg [dreg:$0xb];
	[sflag:s19] =	ssyncadd.s32 $0xFFFFD800  }
0x47: {  	[hbm4b:s1+s2] =	stream.linear.scatter [tilespmem:s15], [sflag:$0x9], $0x2800, $0x38;
	[tilespmem:$0x1E428] =	vst v63  }
0x48: {  	s31 =	rddreg [dreg:$0xc]  }
0x49: {  	[tilespmem:s18], [sflag:$0x3] =	stream.linear.gather [hbm4b:s31+s2], $0x2800, $0x38;
	[tilespmem:$0x1E428] =	vst v63  }
0x4a: {  	_ =	swait.ge [sflag:s29], $0x2800  }
0x4b: {  	[sflag:s29] =	ssyncset.done $0x0  }
0x4c: {  	[sflag:s29] =	ssyncadd.s32 $0xFFFFD800  }
0x4d: {  	_ =	swait.ge [sflag:s13], $0x2800  }
0x4e: {  	[sflag:s13] =	ssyncset.done $0x0  }
0x4f: {  	[sflag:s13] =	ssyncadd.s32 $0xFFFFD800  }
0x50: {  	[tilespmem:s20], [sflag:$0x5] =	stream.indirect.gather [spmem:s3], $0x1, s24, s11, $0xb8;
	[tilespmem:$0x1E428] =	vst v63  }
0x51: {  	_ =	swait.ge [sflag:s9], $0x2800  }
0x52: {  	[sflag:s9] =	ssyncset.done $0x0  }
0x53: {  	s1 =	rddreg [dreg:$0xd];
	[sflag:s9] =	ssyncadd.s32 $0xFFFFD800  }
0x54: {  	[hbm4b:s1+s2] =	stream.linear.scatter [tilespmem:s6], [sflag:$0x7], $0x2800, $0x38;
	[tilespmem:$0x1E428] =	vst v63  }
0x55: {  	_ = 	snop  }
0x56: {  	[tilespmem:s8], [sflag:$0x1] =	stream.linear.gather [hbm4b:s30+s2], $0x2800, $0x38;
	[tilespmem:$0x1E428] =	vst v63  }
0x57: {  	_ =	swait.ge [sflag:s25], $0x2800  }
0x58: {  	[sflag:s25] =	ssyncset.done $0x0  }
0x59: {  	[sflag:s25] =	ssyncadd.s32 $0xFFFFD800  }
0x5a: {  	_ =	swait.ge [sflag:s12], $0x2800  }
0x5b: {  	[sflag:s12] =	ssyncset.done $0x0  }
0x5c: {  	[sflag:s12] =	ssyncadd.s32 $0xFFFFD800  }
0x5d: {  	[tilespmem:s15], [sflag:$0x6] =	stream.indirect.gather [spmem:s3], $0x1, s18, s11, $0xb8;
	[tilespmem:$0x1E428] =	vst v63  }
0x5e: {  	_ =	swait.ge [sflag:s23], $0x2800  }
0x5f: {  	[sflag:s23] =	ssyncset.done $0x0  }
0x60: {  	[sflag:s23] =	ssyncadd.s32 $0xFFFFD800  }
0x61: {  	[hbm4b:s26+s2] =	stream.linear.scatter [tilespmem:s20], [sflag:$0x8], $0x2800, $0x38;
	[tilespmem:$0x1E428] =	vst v63  }
0x62: {  	_ = 	snop  }
0x63: {  	[tilespmem:s24], [sflag:$0x2] =	stream.linear.gather [hbm4b:s28+s2], $0x2800, $0x38;
	[tilespmem:$0x1E428] =	vst v63  }
0x64: {  	_ =	swait.ge [sflag:s14], $0x2800  }
0x65: {  	[sflag:s14] =	ssyncset.done $0x0  }
0x66: {  	[sflag:s14] =	ssyncadd.s32 $0xFFFFD800  }
0x67: {  	_ =	swait.ge [sflag:s7], $0x2800  }
0x68: {  	[sflag:s7] =	ssyncset.done $0x0  }
0x69: {  	[sflag:s7] =	ssyncadd.s32 $0xFFFFD800  }
0x6a: {  	[tilespmem:s6], [sflag:$0x4] =	stream.indirect.gather [spmem:s3], $0x1, s8, s11, $0xb8;
	[tilespmem:$0x1E428] =	vst v63  }
0x6b: {  	_ =	swait.ge [sflag:s19], $0x2800  }
0x6c: {  	[sflag:s19] =	ssyncset.done $0x0  }
0x6d: {  	[sflag:s19] =	ssyncadd.s32 $0xFFFFD800  }
0x6e: {  	[hbm4b:s21+s2] =	stream.linear.scatter [tilespmem:s15], [sflag:$0x9], $0x2800, $0x38;
	[tilespmem:$0x1E428] =	vst v63  }
0x6f: {  	_ = 	snop  }
0x70: {  	[tilespmem:s18], [sflag:$0x3] =	stream.linear.gather [hbm4b:s22+s2], $0x2800, $0x38;
	[tilespmem:$0x1E428] =	vst v63  }
0x71: {  	_ =	swait.ge [sflag:s29], $0x2800  }
0x72: {  	[sflag:s29] =	ssyncset.done $0x0  }
0x73: {  	[sflag:s29] =	ssyncadd.s32 $0xFFFFD800  }
0x74: {  	_ =	swait.ge [sflag:s13], $0x2800  }
0x75: {  	[sflag:s13] =	ssyncset.done $0x0  }
0x76: {  	[sflag:s13] =	ssyncadd.s32 $0xFFFFD800  }
0x77: {  	[tilespmem:s20], [sflag:$0x5] =	stream.indirect.gather [spmem:s3], $0x1, s24, s11, $0xb8;
	[tilespmem:$0x1E428] =	vst v63  }
0x78: {  	_ =	swait.ge [sflag:s9], $0x2800  }
0x79: {  	[sflag:s9] =	ssyncset.done $0x0  }
0x7a: {  	[sflag:s9] =	ssyncadd.s32 $0xFFFFD800  }
0x7b: {  	[hbm4b:s16+s2] =	stream.linear.scatter [tilespmem:s6], [sflag:$0x7], $0x2800, $0x38;
	[tilespmem:$0x1E428] =	vst v63  }
0x7c: {  	_ = 	snop  }
0x7d: {  	[tilespmem:s8], [sflag:$0x1] =	stream.linear.gather [hbm4b:s17+s2], $0x2800, $0x38;
	[tilespmem:$0x1E428] =	vst v63  }
0x7e: {  	_ =	swait.ge [sflag:s25], $0x2800  }
0x7f: {  	[sflag:s25] =	ssyncset.done $0x0  }
0x80: {  	[sflag:s25] =	ssyncadd.s32 $0xFFFFD800  }
0x81: {  	_ =	swait.ge [sflag:s12], $0x2800  }
0x82: {  	[sflag:s12] =	ssyncset.done $0x0  }
0x83: {  	[sflag:s12] =	ssyncadd.s32 $0xFFFFD800  }
0x84: {  	[tilespmem:s15], [sflag:$0x6] =	stream.indirect.gather [spmem:s3], $0x1, s18, s11, $0xb8;
	[tilespmem:$0x1E428] =	vst v63  }
0x85: {  	_ =	swait.ge [sflag:s23], $0x2800  }
0x86: {  	[sflag:s23] =	ssyncset.done $0x0  }
0x87: {  	[sflag:s23] =	ssyncadd.s32 $0xFFFFD800  }
0x88: {  	[hbm4b:s10+s2] =	stream.linear.scatter [tilespmem:s20], [sflag:$0x8], $0x2800, $0x38;
	[tilespmem:$0x1E428] =	vst v63  }
0x89: {  	_ =	swait.ge [sflag:s14], $0x2800  }
0x8a: {  	[sflag:s14] =	ssyncset.done $0x0  }
0x8b: {  	[sflag:s14] =	ssyncadd.s32 $0xFFFFD800  }
0x8c: {  	_ =	swait.ge [sflag:s7], $0x2800  }
0x8d: {  	[sflag:s7] =	ssyncset.done $0x0  }
0x8e: {  	[sflag:s7] =	ssyncadd.s32 $0xFFFFD800  }
0x8f: {  	[tilespmem:s6], [sflag:$0x4] =	stream.indirect.gather [spmem:s3], $0x1, s8, s11, $0xb8;
	[tilespmem:$0x1E428] =	vst v63  }
0x90: {  	_ =	swait.ge [sflag:s19], $0x2800  }
0x91: {  	[sflag:s19] =	ssyncset.done $0x0  }
0x92: {  	[sflag:s19] =	ssyncadd.s32 $0xFFFFD800  }
0x93: {  	[hbm4b:s5+s2] =	stream.linear.scatter [tilespmem:s15], [sflag:$0x9], $0x2800, $0x38;
	[tilespmem:$0x1E428] =	vst v63  }
0x94: {  	_ =	swait.ge [sflag:s9], $0x2800  }
0x95: {  	[sflag:s9] =	ssyncset.done $0x0  }
0x96: {  	[sflag:s9] =	ssyncadd.s32 $0xFFFFD800  }
0x97: {  	[hbm4b:s4+s2] =	stream.linear.scatter [tilespmem:s6], [sflag:$0x7], $0x2800, $0x38;
	[tilespmem:$0x1E428] =	vst v63  }
0x98: {  	_ =	swait.ge [sflag:s13], $0x2800  }
0x99: {  	[sflag:s13] =	ssyncset.done $0x0  }
0x9a: {  	[sflag:s13] =	ssyncadd.s32 $0xFFFFD800  }
0x9b: {  	_ =	swait.ge [sflag:s12], $0x2800  }
0x9c: {  	s31 =	rddreg [dreg:$0xe]  }
0x9d: {  	p1 =	sne.s32 s31, $0x1  }
.Ltmp1:
0x9e: {  	_ = 	snop;
	(pc) =	sbr.rel @!p1 .LBB2_2-.Ltmp1, $4  }
0x9f: {  	[sflag:s12] =	ssyncset.done $0x0  }
0xa0: {  	[sflag:s12] =	ssyncadd.s32 $0xFFFFD800  }
0xa1: {  	p0 =	por $0x1, $0x1;
	_ =	swait.ge [sflag:s7], $0x2800  }
0xa2: {  	s1 =	sadd.s32 $0xFFFFFFFF, s31;
	s0 =	rddreg [dreg:$0x4];
	[sflag:s7] =	ssyncset.done $0x0  }
.LBB2_3:
0xa3: {  	[sflag:s7] =	ssyncadd.s32 $0xFFFFD800;
	s31 =	smov.u32 s30;
	s30 =	smov.u32 s28  }
0xa4: {  	s28 =	smov.u32 s26;
	s26 =	smov.u32 s22;
	s22 =	smov.u32 s21  }
0xa5: {  	s21 =	smov.u32 s17;
	s17 =	smov.u32 s16;
	s16 =	smov.u32 s10  }
0xa6: {  	[tilespmem:s8], [sflag:$0x1] =	stream.linear.gather [hbm4b:s0+s2], $0x2800, $0x38;
	[tilespmem:$0x1E428] =	vst v63  }
0xa7: {  	s10 =	smov.u32 s5;
	s5 =	smov.u32 s4;
	s4 =	rddreg [dreg:$0x5]  }
0xa8: {  	[tilespmem:s24], [sflag:$0x2] =	stream.linear.gather [hbm4b:s4+s2], $0x2800, $0x38;
	[tilespmem:$0x1E428] =	vst v63  }
0xa9: {  	s0 =	rddreg [dreg:$0x6];
	s4 =	simm.s32 $0xA  }
0xaa: {  	[tilespmem:s18], [sflag:$0x3] =	stream.linear.gather [hbm4b:s0+s2], $0x2800, $0x38;
	[tilespmem:$0x1E428] =	vst v63  }
0xab: {  	_ =	swait.ge [sflag:s4], $0x1  }
0xac: {  	[sflag:s4] =	ssyncset.done $0x0  }
0xad: {  	[sflag:s4] =	ssyncadd.s32 $0xFFFFFFFF  }
0xae: {  	_ =	swait.ge [sflag:s14], $0x2800  }
0xaf: {  	[sflag:s14] =	ssyncset.done $0x0  }
0xb0: {  	[sflag:s14] =	ssyncadd.s32 $0xFFFFD800  }
0xb1: {  	[tilespmem:s6], [sflag:$0x4] =	stream.indirect.gather [spmem:s3], $0x1, s8, s11, $0xb8;
	[tilespmem:$0x1E428] =	vst v63  }
0xb2: {  	_ =	swait.ge [sflag:s29], $0x2800  }
0xb3: {  	[sflag:s29] =	ssyncset.done $0x0  }
0xb4: {  	[sflag:s29] =	ssyncadd.s32 $0xFFFFD800  }
0xb5: {  	[tilespmem:s20], [sflag:$0x5] =	stream.indirect.gather [spmem:s3], $0x1, s24, s11, $0xb8;
	[tilespmem:$0x1E428] =	vst v63  }
0xb6: {  	_ =	swait.ge [sflag:s9], $0x2800  }
0xb7: {  	[sflag:s9] =	ssyncset.done $0x0  }
0xb8: {  	s0 =	rddreg [dreg:$0x7];
	[sflag:s9] =	ssyncadd.s32 $0xFFFFD800  }
0xb9: {  	[hbm4b:s0+s2] =	stream.linear.scatter [tilespmem:s6], [sflag:$0x7], $0x2800, $0x38;
	[tilespmem:$0x1E428] =	vst v63  }
0xba: {  	s4 =	rddreg [dreg:$0x8]  }
0xbb: {  	[tilespmem:s8], [sflag:$0x1] =	stream.linear.gather [hbm4b:s4+s2], $0x2800, $0x38;
	[tilespmem:$0x1E428] =	vst v63  }
0xbc: {  	_ =	swait.ge [sflag:s25], $0x2800  }
0xbd: {  	[sflag:s25] =	ssyncset.done $0x0  }
0xbe: {  	[sflag:s25] =	ssyncadd.s32 $0xFFFFD800  }
0xbf: {  	[tilespmem:s15], [sflag:$0x6] =	stream.indirect.gather [spmem:s3], $0x1, s18, s11, $0xb8;
	[tilespmem:$0x1E428] =	vst v63  }
0xc0: {  	_ =	swait.ge [sflag:s23], $0x2800  }
0xc1: {  	[sflag:s23] =	ssyncset.done $0x0  }
0xc2: {  	s0 =	rddreg [dreg:$0x9];
	[sflag:s23] =	ssyncadd.s32 $0xFFFFD800  }
0xc3: {  	[hbm4b:s0+s2] =	stream.linear.scatter [tilespmem:s20], [sflag:$0x8], $0x2800, $0x38;
	[tilespmem:$0x1E428] =	vst v63  }
0xc4: {  	s4 =	rddreg [dreg:$0xa]  }
0xc5: {  	[tilespmem:s24], [sflag:$0x2] =	stream.linear.gather [hbm4b:s4+s2], $0x2800, $0x38;
	[tilespmem:$0x1E428] =	vst v63  }
0xc6: {  	_ =	swait.ge [sflag:s14], $0x2800  }
0xc7: {  	[sflag:s14] =	ssyncset.done $0x0  }
0xc8: {  	[sflag:s14] =	ssyncadd.s32 $0xFFFFD800  }
0xc9: {  	_ =	swait.ge [sflag:s7], $0x2800  }
0xca: {  	[sflag:s7] =	ssyncset.done $0x0  }
0xcb: {  	[sflag:s7] =	ssyncadd.s32 $0xFFFFD800  }
0xcc: {  	[tilespmem:s6], [sflag:$0x4] =	stream.indirect.gather [spmem:s3], $0x1, s8, s11, $0xb8;
	[tilespmem:$0x1E428] =	vst v63  }
0xcd: {  	_ =	swait.ge [sflag:s19], $0x2800  }
0xce: {  	[sflag:s19] =	ssyncset.done $0x0  }
0xcf: {  	s0 =	rddreg [dreg:$0xb];
	[sflag:s19] =	ssyncadd.s32 $0xFFFFD800  }
0xd0: {  	[hbm4b:s0+s2] =	stream.linear.scatter [tilespmem:s15], [sflag:$0x9], $0x2800, $0x38;
	[tilespmem:$0x1E428] =	vst v63  }
0xd1: {  	s4 =	rddreg [dreg:$0xc]  }
0xd2: {  	[tilespmem:s18], [sflag:$0x3] =	stream.linear.gather [hbm4b:s4+s2], $0x2800, $0x38;
	[tilespmem:$0x1E428] =	vst v63  }
0xd3: {  	_ =	swait.ge [sflag:s29], $0x2800  }
0xd4: {  	[sflag:s29] =	ssyncset.done $0x0  }
0xd5: {  	[sflag:s29] =	ssyncadd.s32 $0xFFFFD800  }
0xd6: {  	_ =	swait.ge [sflag:s13], $0x2800  }
0xd7: {  	[sflag:s13] =	ssyncset.done $0x0  }
0xd8: {  	[sflag:s13] =	ssyncadd.s32 $0xFFFFD800  }
0xd9: {  	[tilespmem:s20], [sflag:$0x5] =	stream.indirect.gather [spmem:s3], $0x1, s24, s11, $0xb8;
	[tilespmem:$0x1E428] =	vst v63  }
0xda: {  	_ =	swait.ge [sflag:s9], $0x2800  }
0xdb: {  	[sflag:s9] =	ssyncset.done $0x0  }
0xdc: {  	s0 =	rddreg [dreg:$0xd];
	[sflag:s9] =	ssyncadd.s32 $0xFFFFD800  }
0xdd: {  	[hbm4b:s0+s2] =	stream.linear.scatter [tilespmem:s6], [sflag:$0x7], $0x2800, $0x38;
	[tilespmem:$0x1E428] =	vst v63  }
0xde: {  	_ = 	snop  }
0xdf: {  	[tilespmem:s8], [sflag:$0x1] =	stream.linear.gather [hbm4b:s31+s2], $0x2800, $0x38;
	[tilespmem:$0x1E428] =	vst v63  }
0xe0: {  	_ =	swait.ge [sflag:s25], $0x2800  }
0xe1: {  	[sflag:s25] =	ssyncset.done $0x0  }
0xe2: {  	[sflag:s25] =	ssyncadd.s32 $0xFFFFD800  }
0xe3: {  	_ =	swait.ge [sflag:s12], $0x2800  }
0xe4: {  	[sflag:s12] =	ssyncset.done $0x0  }
0xe5: {  	s4 =	smov.u32 s5;
	s5 =	smov.u32 s10;
	[sflag:s12] =	ssyncadd.s32 $0xFFFFD800  }
0xe6: {  	[tilespmem:s15], [sflag:$0x6] =	stream.indirect.gather [spmem:s3], $0x1, s18, s11, $0xb8;
	[tilespmem:$0x1E428] =	vst v63  }
0xe7: {  	s10 =	smov.u32 s16;
	s16 =	smov.u32 s17;
	_ =	swait.ge [sflag:s23], $0x2800  }
0xe8: {  	s17 =	smov.u32 s21;
	s21 =	smov.u32 s22;
	[sflag:s23] =	ssyncset.done $0x0  }
0xe9: {  	s22 =	smov.u32 s26;
	s26 =	smov.u32 s28;
	[sflag:s23] =	ssyncadd.s32 $0xFFFFD800  }
0xea: {  	[hbm4b:s26+s2] =	stream.linear.scatter [tilespmem:s20], [sflag:$0x8], $0x2800, $0x38;
	[tilespmem:$0x1E428] =	vst v63  }
0xeb: {  	s28 =	smov.u32 s30  }
0xec: {  	[tilespmem:s24], [sflag:$0x2] =	stream.linear.gather [hbm4b:s28+s2], $0x2800, $0x38;
	[tilespmem:$0x1E428] =	vst v63  }
0xed: {  	_ =	swait.ge [sflag:s14], $0x2800  }
0xee: {  	[sflag:s14] =	ssyncset.done $0x0  }
0xef: {  	[sflag:s14] =	ssyncadd.s32 $0xFFFFD800  }
0xf0: {  	_ =	swait.ge [sflag:s7], $0x2800  }
0xf1: {  	[sflag:s7] =	ssyncset.done $0x0  }
0xf2: {  	[sflag:s7] =	ssyncadd.s32 $0xFFFFD800  }
0xf3: {  	[tilespmem:s6], [sflag:$0x4] =	stream.indirect.gather [spmem:s3], $0x1, s8, s11, $0xb8;
	[tilespmem:$0x1E428] =	vst v63  }
0xf4: {  	_ =	swait.ge [sflag:s19], $0x2800  }
0xf5: {  	[sflag:s19] =	ssyncset.done $0x0  }
0xf6: {  	[sflag:s19] =	ssyncadd.s32 $0xFFFFD800  }
0xf7: {  	[hbm4b:s21+s2] =	stream.linear.scatter [tilespmem:s15], [sflag:$0x9], $0x2800, $0x38;
	[tilespmem:$0x1E428] =	vst v63  }
0xf8: {  	_ = 	snop  }
0xf9: {  	[tilespmem:s18], [sflag:$0x3] =	stream.linear.gather [hbm4b:s22+s2], $0x2800, $0x38;
	[tilespmem:$0x1E428] =	vst v63  }
0xfa: {  	_ =	swait.ge [sflag:s29], $0x2800  }
0xfb: {  	[sflag:s29] =	ssyncset.done $0x0  }
0xfc: {  	[sflag:s29] =	ssyncadd.s32 $0xFFFFD800  }
0xfd: {  	_ =	swait.ge [sflag:s13], $0x2800  }
0xfe: {  	[sflag:s13] =	ssyncset.done $0x0  }
0xff: {  	[sflag:s13] =	ssyncadd.s32 $0xFFFFD800  }
0x100: {  	[tilespmem:s20], [sflag:$0x5] =	stream.indirect.gather [spmem:s3], $0x1, s24, s11, $0xb8;
	[tilespmem:$0x1E428] =	vst v63  }
0x101: {  	_ =	swait.ge [sflag:s9], $0x2800  }
0x102: {  	[sflag:s9] =	ssyncset.done $0x0  }
0x103: {  	[sflag:s9] =	ssyncadd.s32 $0xFFFFD800  }
0x104: {  	[hbm4b:s16+s2] =	stream.linear.scatter [tilespmem:s6], [sflag:$0x7], $0x2800, $0x38;
	[tilespmem:$0x1E428] =	vst v63  }
0x105: {  	_ = 	snop  }
0x106: {  	[tilespmem:s8], [sflag:$0x1] =	stream.linear.gather [hbm4b:s17+s2], $0x2800, $0x38;
	[tilespmem:$0x1E428] =	vst v63  }
0x107: {  	_ =	swait.ge [sflag:s25], $0x2800  }
0x108: {  	[sflag:s25] =	ssyncset.done $0x0  }
0x109: {  	[sflag:s25] =	ssyncadd.s32 $0xFFFFD800  }
0x10a: {  	_ =	swait.ge [sflag:s12], $0x2800  }
0x10b: {  	[sflag:s12] =	ssyncset.done $0x0  }
0x10c: {  	[sflag:s12] =	ssyncadd.s32 $0xFFFFD800  }
0x10d: {  	[tilespmem:s15], [sflag:$0x6] =	stream.indirect.gather [spmem:s3], $0x1, s18, s11, $0xb8;
	[tilespmem:$0x1E428] =	vst v63  }
0x10e: {  	_ =	swait.ge [sflag:s23], $0x2800  }
0x10f: {  	[sflag:s23] =	ssyncset.done $0x0  }
0x110: {  	[sflag:s23] =	ssyncadd.s32 $0xFFFFD800  }
0x111: {  	[hbm4b:s10+s2] =	stream.linear.scatter [tilespmem:s20], [sflag:$0x8], $0x2800, $0x38;
	[tilespmem:$0x1E428] =	vst v63  }
0x112: {  	_ =	swait.ge [sflag:s14], $0x2800  }
0x113: {  	[sflag:s14] =	ssyncset.done $0x0  }
0x114: {  	[sflag:s14] =	ssyncadd.s32 $0xFFFFD800  }
0x115: {  	_ =	swait.ge [sflag:s7], $0x2800  }
0x116: {  	[sflag:s7] =	ssyncset.done $0x0  }
0x117: {  	[sflag:s7] =	ssyncadd.s32 $0xFFFFD800  }
0x118: {  	[tilespmem:s6], [sflag:$0x4] =	stream.indirect.gather [spmem:s3], $0x1, s8, s11, $0xb8;
	[tilespmem:$0x1E428] =	vst v63  }
0x119: {  	_ =	swait.ge [sflag:s19], $0x2800  }
0x11a: {  	[sflag:s19] =	ssyncset.done $0x0  }
0x11b: {  	[sflag:s19] =	ssyncadd.s32 $0xFFFFD800  }
0x11c: {  	[hbm4b:s5+s2] =	stream.linear.scatter [tilespmem:s15], [sflag:$0x9], $0x2800, $0x38;
	[tilespmem:$0x1E428] =	vst v63  }
0x11d: {  	_ =	swait.ge [sflag:s9], $0x2800  }
0x11e: {  	[sflag:s9] =	ssyncset.done $0x0  }
0x11f: {  	[sflag:s9] =	ssyncadd.s32 $0xFFFFD800  }
0x120: {  	[hbm4b:s4+s2] =	stream.linear.scatter [tilespmem:s6], [sflag:$0x7], $0x2800, $0x38;
	[tilespmem:$0x1E428] =	vst v63  }
0x121: {  	_ =	swait.ge [sflag:s13], $0x2800  }
0x122: {  	[sflag:s13] =	ssyncset.done $0x0  }
0x123: {  	p1 =	sne.s32 s1, $0x1;
	[sflag:s13] =	ssyncadd.s32 $0xFFFFD800  }
.Ltmp2:
0x124: {  	_ =	swait.ge [sflag:s12], $0x2800;
	(pc) =	sbr.rel @p1 .LBB2_3-.Ltmp2, $4  }
0x125: {  	[sflag:s12] =	ssyncset.done $0x0  }
0x126: {  	[sflag:s12] =	ssyncadd.s32 $0xFFFFD800  }
0x127: {  	s1 =	sadd.s32 $0xFFFFFFFF, s1;
	_ =	swait.ge [sflag:s7], $0x2800  }
0x128: {  	s30 =	smov.u32 s31;
	s0 =	rddreg [dreg:$0x4];
	[sflag:s7] =	ssyncset.done $0x0  }
0x129: {  	s31 =	simm.s32 $0xA  }
.LBB2_5:
0x12a: {  	[sflag:s7] =	ssyncadd.s32 @p0 $0xFFFFD800  }
0x12b: {  	[tilespmem:s8], [sflag:$0x1] =	stream.linear.gather [hbm4b:s0+s2], $0x2800, $0x38;
	[tilespmem:$0x1E428] =	vst v63  }
0x12c: {  	s1 =	rddreg [dreg:$0x5]  }
0x12d: {  	[tilespmem:s24], [sflag:$0x2] =	stream.linear.gather [hbm4b:s1+s2], $0x2800, $0x38;
	[tilespmem:$0x1E428] =	vst v63  }
0x12e: {  	s0 =	rddreg [dreg:$0x6]  }
0x12f: {  	[tilespmem:s18], [sflag:$0x3] =	stream.linear.gather [hbm4b:s0+s2], $0x2800, $0x38;
	[tilespmem:$0x1E428] =	vst v63  }
0x130: {  	_ =	swait.ge [sflag:s31], $0x1  }
0x131: {  	[sflag:s31] =	ssyncset.done $0x0  }
0x132: {  	[sflag:s31] =	ssyncadd.s32 $0xFFFFFFFF  }
0x133: {  	_ =	swait.ge [sflag:s14], $0x2800  }
0x134: {  	[sflag:s14] =	ssyncset.done $0x0  }
0x135: {  	[sflag:s14] =	ssyncadd.s32 $0xFFFFD800  }
0x136: {  	[tilespmem:s6], [sflag:$0x4] =	stream.indirect.gather [spmem:s3], $0x1, s8, s11, $0xb8;
	[tilespmem:$0x1E428] =	vst v63  }
0x137: {  	_ =	swait.ge [sflag:s29], $0x2800  }
0x138: {  	[sflag:s29] =	ssyncset.done $0x0  }
0x139: {  	[sflag:s29] =	ssyncadd.s32 $0xFFFFD800  }
0x13a: {  	[tilespmem:s20], [sflag:$0x5] =	stream.indirect.gather [spmem:s3], $0x1, s24, s11, $0xb8;
	[tilespmem:$0x1E428] =	vst v63  }
0x13b: {  	_ =	swait.ge [sflag:s9], $0x2800  }
0x13c: {  	[sflag:s9] =	ssyncset.done $0x0  }
0x13d: {  	s1 =	rddreg [dreg:$0x7];
	[sflag:s9] =	ssyncadd.s32 $0xFFFFD800  }
0x13e: {  	[hbm4b:s1+s2] =	stream.linear.scatter [tilespmem:s6], [sflag:$0x7], $0x2800, $0x38;
	[tilespmem:$0x1E428] =	vst v63  }
0x13f: {  	s31 =	rddreg [dreg:$0x8]  }
0x140: {  	[tilespmem:s8], [sflag:$0x1] =	stream.linear.gather [hbm4b:s31+s2], $0x2800, $0x38;
	[tilespmem:$0x1E428] =	vst v63  }
0x141: {  	_ =	swait.ge [sflag:s25], $0x2800  }
0x142: {  	[sflag:s25] =	ssyncset.done $0x0  }
0x143: {  	[sflag:s25] =	ssyncadd.s32 $0xFFFFD800  }
0x144: {  	[tilespmem:s15], [sflag:$0x6] =	stream.indirect.gather [spmem:s3], $0x1, s18, s11, $0xb8;
	[tilespmem:$0x1E428] =	vst v63  }
0x145: {  	_ =	swait.ge [sflag:s23], $0x2800  }
0x146: {  	[sflag:s23] =	ssyncset.done $0x0  }
0x147: {  	s1 =	rddreg [dreg:$0x9];
	[sflag:s23] =	ssyncadd.s32 $0xFFFFD800  }
0x148: {  	[hbm4b:s1+s2] =	stream.linear.scatter [tilespmem:s20], [sflag:$0x8], $0x2800, $0x38;
	[tilespmem:$0x1E428] =	vst v63  }
0x149: {  	s31 =	rddreg [dreg:$0xa]  }
0x14a: {  	[tilespmem:s24], [sflag:$0x2] =	stream.linear.gather [hbm4b:s31+s2], $0x2800, $0x38;
	[tilespmem:$0x1E428] =	vst v63  }
0x14b: {  	_ =	swait.ge [sflag:s14], $0x2800  }
0x14c: {  	[sflag:s14] =	ssyncset.done $0x0  }
0x14d: {  	[sflag:s14] =	ssyncadd.s32 $0xFFFFD800  }
0x14e: {  	_ =	swait.ge [sflag:s7], $0x2800  }
0x14f: {  	[sflag:s7] =	ssyncset.done $0x0  }
0x150: {  	[sflag:s7] =	ssyncadd.s32 $0xFFFFD800  }
0x151: {  	[tilespmem:s6], [sflag:$0x4] =	stream.indirect.gather [spmem:s3], $0x1, s8, s11, $0xb8;
	[tilespmem:$0x1E428] =	vst v63  }
0x152: {  	_ =	swait.ge [sflag:s19], $0x2800  }
0x153: {  	[sflag:s19] =	ssyncset.done $0x0  }
0x154: {  	s1 =	rddreg [dreg:$0xb];
	[sflag:s19] =	ssyncadd.s32 $0xFFFFD800  }
0x155: {  	[hbm4b:s1+s2] =	stream.linear.scatter [tilespmem:s15], [sflag:$0x9], $0x2800, $0x38;
	[tilespmem:$0x1E428] =	vst v63  }
0x156: {  	s31 =	rddreg [dreg:$0xc]  }
0x157: {  	[tilespmem:s18], [sflag:$0x3] =	stream.linear.gather [hbm4b:s31+s2], $0x2800, $0x38;
	[tilespmem:$0x1E428] =	vst v63  }
0x158: {  	_ =	swait.ge [sflag:s29], $0x2800  }
0x159: {  	[sflag:s29] =	ssyncset.done $0x0  }
0x15a: {  	[sflag:s29] =	ssyncadd.s32 $0xFFFFD800  }
0x15b: {  	_ =	swait.ge [sflag:s13], $0x2800  }
0x15c: {  	[sflag:s13] =	ssyncset.done $0x0  }
0x15d: {  	[sflag:s13] =	ssyncadd.s32 $0xFFFFD800  }
0x15e: {  	[tilespmem:s20], [sflag:$0x5] =	stream.indirect.gather [spmem:s3], $0x1, s24, s11, $0xb8;
	[tilespmem:$0x1E428] =	vst v63  }
0x15f: {  	_ =	swait.ge [sflag:s9], $0x2800  }
0x160: {  	[sflag:s9] =	ssyncset.done $0x0  }
0x161: {  	s1 =	rddreg [dreg:$0xd];
	[sflag:s9] =	ssyncadd.s32 $0xFFFFD800  }
0x162: {  	[hbm4b:s1+s2] =	stream.linear.scatter [tilespmem:s6], [sflag:$0x7], $0x2800, $0x38;
	[tilespmem:$0x1E428] =	vst v63  }
0x163: {  	_ = 	snop  }
0x164: {  	[tilespmem:s8], [sflag:$0x1] =	stream.linear.gather [hbm4b:s30+s2], $0x2800, $0x38;
	[tilespmem:$0x1E428] =	vst v63  }
0x165: {  	_ =	swait.ge [sflag:s25], $0x2800  }
0x166: {  	[sflag:s25] =	ssyncset.done $0x0  }
0x167: {  	[sflag:s25] =	ssyncadd.s32 $0xFFFFD800  }
0x168: {  	_ =	swait.ge [sflag:s12], $0x2800  }
0x169: {  	[sflag:s12] =	ssyncset.done $0x0  }
0x16a: {  	[sflag:s12] =	ssyncadd.s32 $0xFFFFD800  }
0x16b: {  	[tilespmem:s15], [sflag:$0x6] =	stream.indirect.gather [spmem:s3], $0x1, s18, s11, $0xb8;
	[tilespmem:$0x1E428] =	vst v63  }
0x16c: {  	_ =	swait.ge [sflag:s23], $0x2800  }
0x16d: {  	[sflag:s23] =	ssyncset.done $0x0  }
0x16e: {  	[sflag:s23] =	ssyncadd.s32 $0xFFFFD800  }
0x16f: {  	[hbm4b:s26+s2] =	stream.linear.scatter [tilespmem:s20], [sflag:$0x8], $0x2800, $0x38;
	[tilespmem:$0x1E428] =	vst v63  }
0x170: {  	_ = 	snop  }
0x171: {  	[tilespmem:s24], [sflag:$0x2] =	stream.linear.gather [hbm4b:s28+s2], $0x2800, $0x38;
	[tilespmem:$0x1E428] =	vst v63  }
0x172: {  	_ =	swait.ge [sflag:s14], $0x2800  }
0x173: {  	[sflag:s14] =	ssyncset.done $0x0  }
0x174: {  	[sflag:s14] =	ssyncadd.s32 $0xFFFFD800  }
0x175: {  	_ =	swait.ge [sflag:s7], $0x2800  }
0x176: {  	[sflag:s7] =	ssyncset.done $0x0  }
0x177: {  	[sflag:s7] =	ssyncadd.s32 $0xFFFFD800  }
0x178: {  	[tilespmem:s6], [sflag:$0x4] =	stream.indirect.gather [spmem:s3], $0x1, s8, s11, $0xb8;
	[tilespmem:$0x1E428] =	vst v63  }
0x179: {  	_ =	swait.ge [sflag:s19], $0x2800  }
0x17a: {  	[sflag:s19] =	ssyncset.done $0x0  }
0x17b: {  	[sflag:s19] =	ssyncadd.s32 $0xFFFFD800  }
0x17c: {  	[hbm4b:s21+s2] =	stream.linear.scatter [tilespmem:s15], [sflag:$0x9], $0x2800, $0x38;
	[tilespmem:$0x1E428] =	vst v63  }
0x17d: {  	_ = 	snop  }
0x17e: {  	[tilespmem:s18], [sflag:$0x3] =	stream.linear.gather [hbm4b:s22+s2], $0x2800, $0x38;
	[tilespmem:$0x1E428] =	vst v63  }
0x17f: {  	_ =	swait.ge [sflag:s29], $0x2800  }
0x180: {  	[sflag:s29] =	ssyncset.done $0x0  }
0x181: {  	[sflag:s29] =	ssyncadd.s32 $0xFFFFD800  }
0x182: {  	_ =	swait.ge [sflag:s13], $0x2800  }
0x183: {  	[sflag:s13] =	ssyncset.done $0x0  }
0x184: {  	[sflag:s13] =	ssyncadd.s32 $0xFFFFD800  }
0x185: {  	[tilespmem:s20], [sflag:$0x5] =	stream.indirect.gather [spmem:s3], $0x1, s24, s11, $0xb8;
	[tilespmem:$0x1E428] =	vst v63  }
0x186: {  	_ =	swait.ge [sflag:s9], $0x2800  }
0x187: {  	[sflag:s9] =	ssyncset.done $0x0  }
0x188: {  	[sflag:s9] =	ssyncadd.s32 $0xFFFFD800  }
0x189: {  	[hbm4b:s16+s2] =	stream.linear.scatter [tilespmem:s6], [sflag:$0x7], $0x2800, $0x38;
	[tilespmem:$0x1E428] =	vst v63  }
0x18a: {  	_ = 	snop  }
0x18b: {  	[tilespmem:s8], [sflag:$0x1] =	stream.linear.gather [hbm4b:s17+s2], $0x2800, $0x38;
	[tilespmem:$0x1E428] =	vst v63  }
0x18c: {  	_ =	swait.ge [sflag:s25], $0x2800  }
0x18d: {  	[sflag:s25] =	ssyncset.done $0x0  }
0x18e: {  	[sflag:s25] =	ssyncadd.s32 $0xFFFFD800  }
0x18f: {  	_ =	swait.ge [sflag:s12], $0x2800  }
0x190: {  	[sflag:s12] =	ssyncset.done $0x0  }
0x191: {  	[sflag:s12] =	ssyncadd.s32 $0xFFFFD800  }
0x192: {  	[tilespmem:s15], [sflag:$0x6] =	stream.indirect.gather [spmem:s3], $0x1, s18, s11, $0xb8;
	[tilespmem:$0x1E428] =	vst v63  }
0x193: {  	_ =	swait.ge [sflag:s23], $0x2800  }
0x194: {  	[sflag:s23] =	ssyncset.done $0x0  }
0x195: {  	[sflag:s23] =	ssyncadd.s32 $0xFFFFD800  }
0x196: {  	[hbm4b:s10+s2] =	stream.linear.scatter [tilespmem:s20], [sflag:$0x8], $0x2800, $0x38;
	[tilespmem:$0x1E428] =	vst v63  }
0x197: {  	_ =	swait.ge [sflag:s14], $0x2800  }
0x198: {  	[sflag:s14] =	ssyncset.done $0x0  }
0x199: {  	[sflag:s14] =	ssyncadd.s32 $0xFFFFD800  }
0x19a: {  	_ =	swait.ge [sflag:s7], $0x2800  }
0x19b: {  	[sflag:s7] =	ssyncset.done $0x0  }
0x19c: {  	[sflag:s7] =	ssyncadd.s32 $0xFFFFD800  }
0x19d: {  	[tilespmem:s6], [sflag:$0x4] =	stream.indirect.gather [spmem:s3], $0x1, s8, s11, $0xb8;
	[tilespmem:$0x1E428] =	vst v63  }
0x19e: {  	_ =	swait.ge [sflag:s19], $0x2800  }
0x19f: {  	[sflag:s19] =	ssyncset.done $0x0  }
0x1a0: {  	[sflag:s19] =	ssyncadd.s32 $0xFFFFD800  }
0x1a1: {  	[hbm4b:s5+s2] =	stream.linear.scatter [tilespmem:s15], [sflag:$0x9], $0x2800, $0x38;
	[tilespmem:$0x1E428] =	vst v63  }
0x1a2: {  	_ =	swait.ge [sflag:s9], $0x2800  }
0x1a3: {  	[sflag:s9] =	ssyncset.done $0x0  }
0x1a4: {  	[sflag:s9] =	ssyncadd.s32 $0xFFFFD800  }
0x1a5: {  	[hbm4b:s4+s2] =	stream.linear.scatter [tilespmem:s6], [sflag:$0x7], $0x2800, $0x38;
	[tilespmem:$0x1E428] =	vst v63  }
0x1a6: {  	_ =	swait.ge [sflag:s13], $0x2800  }
0x1a7: {  	[sflag:s13] =	ssyncset.done $0x0  }
0x1a8: {  	[sflag:s13] =	ssyncadd.s32 $0xFFFFD800  }
0x1a9: {  	_ =	swait.ge [sflag:s12], $0x2800  }
0x1aa: {  	[sflag:s12] =	ssyncset.done $0x0  }
0x1ab: {  	[sflag:s12] =	ssyncadd.s32 $0xFFFFD800  }
0x1ac: {  	_ =	swait.ge [sflag:s7], $0x2800  }
0x1ad: {  	[sflag:s7] =	ssyncset.done $0x0  }
0x1ae: {  	[sflag:s7] =	ssyncadd.s32 $0xFFFFD800  }
0x1af: {  	_ =	sfence.sel $0x180000  }
0x1b0: {  	[bflag:$0x0] =	sbarrier.arrive $0xFFFF  }
0x1b1: {  	_ =	strace $0x90000047  }
0x1b2: {  	s31 =	stileid.u32;
	[bflag:$0x2] =	sbarrier.arrive $0xFFFF  }
0x1b3: {  	p0 =	sne.s32 s31, $0x0;
	s0 =	rddreg [dreg:$0x3]  }
0x1b4: {  	s0 =	sadd.s32 @!p0 $0x100000, s0  }
0x1b5: {  	[sflag:s0] =	ssyncadd.tile.s32 @!p0 $0x1;
	_ =	shalt  }
.LBB2_2:
.Ltmp3:
0x1b6: {  	(pc) =	sbr.rel .LBB2_5-.Ltmp3, $2  }
0x1b7: {  	_ =	sdelay $0x2  }
0x1b8: {  	s31 =	simm.s32 $0xA  }
.Lfunc_end2:
_tile_overlayer_lowered:
.L_overlay_start_2:
0x1b9: {  	(tag) =	ssettag $0x2  }
0x1ba: {  	s0 =	rddreg [dreg:$0x0];
	s2 =	stileid.u32  }
0x1bb: {  	s1 =	rddreg [dreg:$0x1];
	p0 =	sne.s32 s2, $0x0  }
0x1bc: {  	s3 =	rddreg [dreg:$0x2];
	[bflag:$0x3] =	sbarrier.arrive $0xFFFF;
	s2 =	simm.s32 @!p0 $0x1C0B  }
0x1bd: {  	[timem:s3], [sflag:s2] =	dma.local @!p0 [hbm:s0], s1  }
0x1be: {  	s0 =	simm.s32 @!p0 $0xB  }
0x1bf: {  	_ =	swait.ge @!p0 [sflag:s0], s1  }
0x1c0: {  	s1 =	ssub.s32 @!p0 $0x0, s1;
	[sflag:s0] =	ssyncset.done @!p0 $0x0  }
0x1c1: {  	[sflag:s0] =	ssyncadd.s32 @!p0 s1  }
0x1c2: {  	[bflag:$0x3] =	sbarrier.arrive $0xFFFF  }
0x1c3: {  	_ =	shalt  }

</sc_bundles>
